<compile_context>
chip_gen: v7x
topology: tpu7x:2x2x1
jax: 0.10.2.dev20260603
libtpu: 0.0.44.dev20260713+nightly
codegen_flags: <defaults>
</compile_context>

<pallas_src>
import functools

import jax
import jax.numpy as jnp
from jax import lax
from jax.experimental import pallas as pl
from jax.experimental.pallas import tpu as pltpu
from jax.experimental.pallas import tpu_sc as plsc

B = 16384
K = 32
NC = 2
NS = 16
NW = NC * NS
BPW = B // NW
L = 16
GROUPS = BPW // L


def _sc_dot(user_ids, item_ids, user_table, item_table):
    mesh = plsc.VectorSubcoreMesh(core_axis_name="c", subcore_axis_name="s")

    @functools.partial(
        pl.kernel,
        mesh=mesh,
        out_type=jax.ShapeDtypeStruct((B,), jnp.float32),
        compiler_params=pltpu.CompilerParams(use_tc_tiling_on_sc=False),
        scratch_types=[
            pltpu.VMEM((BPW,), jnp.int32),
            pltpu.VMEM((BPW,), jnp.int32),
            pltpu.VMEM((BPW, K), jnp.float32),
            pltpu.VMEM((BPW, K), jnp.float32),
            pltpu.VMEM((BPW,), jnp.float32),
            pltpu.SemaphoreType.DMA,
            pltpu.SemaphoreType.DMA,
        ],
    )
    def k(uid_hbm, iid_hbm, ut_hbm, it_hbm, out_hbm,
          uidx_v, iidx_v, urows_v, irows_v, out_v, sem_u, sem_i):
        wid = lax.axis_index("s") * NC + lax.axis_index("c")
        base = wid * BPW
        pltpu.sync_copy(uid_hbm.at[pl.ds(base, BPW)], uidx_v)
        pltpu.sync_copy(iid_hbm.at[pl.ds(base, BPW)], iidx_v)
        cu = pltpu.async_copy(ut_hbm.at[uidx_v], urows_v, sem_u)
        ci = pltpu.async_copy(it_hbm.at[iidx_v], irows_v, sem_i)
        cu.wait()
        ci.wait()

        lanes = lax.iota(jnp.int32, L)
        perms = [(lanes + (8 >> s)) & 15 for s in range(4)]

        def body(g, carry):
            rbase = g * L
            acc = jnp.zeros((L,), jnp.float32)
            for j in range(L):
                r = rbase + j
                u0 = urows_v[r, pl.ds(0, L)]
                u1 = urows_v[r, pl.ds(L, L)]
                v0 = irows_v[r, pl.ds(0, L)]
                v1 = irows_v[r, pl.ds(L, L)]
                p = u0 * v0 + u1 * v1
                for s in range(4):
                    p = p + jnp.take(p, perms[s], axis=0)
                acc = jnp.where(lanes == j, p, acc)
            out_v[pl.ds(rbase, L)] = acc
            return carry

        lax.fori_loop(0, GROUPS, body, 0)
        pltpu.sync_copy(out_v, out_hbm.at[pl.ds(base, BPW)])

    return k(user_ids, item_ids, user_table, item_table)


def kernel(user_ids, item_ids, user_table, item_table):
    out = _sc_dot(user_ids[:, 0], item_ids[:, 0], user_table, item_table)
    return out[:, None]

# --- scband reference (transcript-rebuilt; emitter-appended) ---
"""Pipeline reference for scband-cfmodel-11536282157518 (READ-ONLY COPY).

The authoritative reference and input builder live on the scoring server;
editing this copy changes nothing except your own understanding.
"""

import jax, jax.numpy as jnp
import numpy as np

N_USERS = 1000000
M_ITEMS = 1000000
K_FACTORS = 32
BATCH = 16384


def setup_inputs(seed: int = 0) -> dict:
    key = jax.random.key(seed)
    k1, k2, k3, k4 = jax.random.split(key, 4)
    user_ids = jax.random.randint(k1, (BATCH, 1), 0, N_USERS, dtype=jnp.int64 if jax.config.jax_enable_x64 else jnp.int32).astype(jnp.int32)
    item_ids = jax.random.randint(k2, (BATCH, 1), 0, M_ITEMS, dtype=jnp.int64 if jax.config.jax_enable_x64 else jnp.int32).astype(jnp.int32)
    # Learned embedding tables (keras Embedding default init ~ uniform(-0.05, 0.05))
    user_table = jax.random.uniform(k3, (N_USERS, K_FACTORS), minval=-0.05, maxval=0.05, dtype=jnp.float32)
    item_table = jax.random.uniform(k4, (M_ITEMS, K_FACTORS), minval=-0.05, maxval=0.05, dtype=jnp.float32)
    return {
        "user_ids": user_ids,
        "item_ids": item_ids,
        "user_table": user_table,
        "item_table": item_table,
    }


def reference(user_ids, item_ids, user_table, item_table):
    # Embedding lookup: [B, 1] -> [B, 1, K] -> Flatten -> [B, K]
    u = jnp.take(user_table, user_ids[:, 0], axis=0)  # [B, K]
    v = jnp.take(item_table, item_ids[:, 0], axis=0)  # [B, K]
    # Dot(axes=1) over flattened embeddings -> [B, 1]
    out = jnp.sum(u * v, axis=1, keepdims=True)
    return out

if __name__ == "__main__":
    import jax
    _d = setup_inputs()
    print(jax.jit(kernel)(*tuple(_d.values())))

</pallas_src>

<mosaic_0001>
#map = affine_map<(d0, d1) -> (0)>
#map1 = affine_map<(d0, d1) -> (0, 0)>
module attributes {stable_mosaic.version = 14 : i64} {
  func.func @k(%arg0: i32, %arg1: i32, %arg2: memref<16384xi32, #tpu.memory_space<hbm>>, %arg3: memref<16384xi32, #tpu.memory_space<hbm>>, %arg4: memref<1000000x32xf32, #tpu.memory_space<hbm>>, %arg5: memref<1000000x32xf32, #tpu.memory_space<hbm>>, %arg6: memref<16384xf32, #tpu.memory_space<hbm>>, %arg7: memref<512xi32, #tpu.memory_space<vmem>>, %arg8: memref<512xi32, #tpu.memory_space<vmem>>, %arg9: memref<512x32xf32, #tpu.memory_space<vmem>>, %arg10: memref<512x32xf32, #tpu.memory_space<vmem>>, %arg11: memref<512xf32, #tpu.memory_space<vmem>>, %arg12: memref<!tpu.dma_semaphore, #tpu.memory_space<semaphore_mem>>, %arg13: memref<!tpu.dma_semaphore, #tpu.memory_space<semaphore_mem>>) attributes {dimension_semantics = [#tpu.dimension_semantics<core_parallel>, #tpu.dimension_semantics<subcore_parallel>], iteration_bounds = array<i64: 2, 16>, scalar_prefetch = 0 : i64, scratch_operands = 7 : i64, tpu.core_type = #tpu.core_type<sc_vector_subcore>, window_params = [{transform_indices = #map}, {transform_indices = #map}, {transform_indices = #map1}, {transform_indices = #map1}, {transform_indices = #map}]} {
    %mul3A = arith.constant 2 : i32
    %mul3A_0 = arith.muli %arg1, %mul3A : i32
    %add3A = arith.addi %mul3A_0, %arg0 : i32
    %mul3A_1 = arith.constant 512 : i32
    %mul3A_2 = arith.muli %add3A, %mul3A_1 : i32
    "tpu.region"() ({
      %run_scoped3A = tpu.sem_alloc : memref<!tpu.dma_semaphore, #tpu.memory_space<semaphore_mem>>
      %dma_start3A_41 = tpu.memref_slice %arg2[%mul3A_2] : memref<16384xi32, #tpu.memory_space<hbm>> -> memref<512xi32, #tpu.memory_space<hbm>>
      %dma_start3A_42 = tpu.memref_slice %arg2[%mul3A_2] : memref<16384xi32, #tpu.memory_space<hbm>> -> memref<512xi32, #tpu.memory_space<hbm>>
      tpu.enqueue_dma source(%dma_start3A_42 : memref<512xi32, #tpu.memory_space<hbm>>) target(%arg7 : memref<512xi32, #tpu.memory_space<vmem>>) target_semaphore(%run_scoped3A : memref<!tpu.dma_semaphore, #tpu.memory_space<semaphore_mem>>)
      %dma_wait3A_43 = tpu.memref_slice %arg2[%mul3A_2] : memref<16384xi32, #tpu.memory_space<hbm>> -> memref<512xi32, #tpu.memory_space<hbm>>
      %dma_wait3A_44 = tpu.memref_slice %arg2[%mul3A_2] : memref<16384xi32, #tpu.memory_space<hbm>> -> memref<512xi32, #tpu.memory_space<hbm>>
      tpu.wait_dma2 semaphore(%run_scoped3A : memref<!tpu.dma_semaphore, #tpu.memory_space<semaphore_mem>>) src(%dma_wait3A_44 : memref<512xi32, #tpu.memory_space<hbm>>) dst(%arg7 : memref<512xi32, #tpu.memory_space<vmem>>)
      tpu.yield
    }) : () -> ()
    "tpu.region"() ({
      %run_scoped3A = tpu.sem_alloc : memref<!tpu.dma_semaphore, #tpu.memory_space<semaphore_mem>>
      %dma_start3A_41 = tpu.memref_slice %arg3[%mul3A_2] : memref<16384xi32, #tpu.memory_space<hbm>> -> memref<512xi32, #tpu.memory_space<hbm>>
      %dma_start3A_42 = tpu.memref_slice %arg3[%mul3A_2] : memref<16384xi32, #tpu.memory_space<hbm>> -> memref<512xi32, #tpu.memory_space<hbm>>
      tpu.enqueue_dma source(%dma_start3A_42 : memref<512xi32, #tpu.memory_space<hbm>>) target(%arg8 : memref<512xi32, #tpu.memory_space<vmem>>) target_semaphore(%run_scoped3A : memref<!tpu.dma_semaphore, #tpu.memory_space<semaphore_mem>>)
      %dma_wait3A_43 = tpu.memref_slice %arg3[%mul3A_2] : memref<16384xi32, #tpu.memory_space<hbm>> -> memref<512xi32, #tpu.memory_space<hbm>>
      %dma_wait3A_44 = tpu.memref_slice %arg3[%mul3A_2] : memref<16384xi32, #tpu.memory_space<hbm>> -> memref<512xi32, #tpu.memory_space<hbm>>
      tpu.wait_dma2 semaphore(%run_scoped3A : memref<!tpu.dma_semaphore, #tpu.memory_space<semaphore_mem>>) src(%dma_wait3A_44 : memref<512xi32, #tpu.memory_space<hbm>>) dst(%arg8 : memref<512xi32, #tpu.memory_space<vmem>>)
      tpu.yield
    }) : () -> ()
    %dma_start3A = arith.constant 0 : i32
    %dma_start3A_3 = arith.constant 0 : i32
    %dma_start3A_4 = tpu.memref_slice %arg4[%dma_start3A, %dma_start3A_3] : memref<1000000x32xf32, #tpu.memory_space<hbm>> -> memref<1000000x32xf32, #tpu.memory_space<hbm>>
    tpu.enqueue_indirect_dma source(%dma_start3A_4 : memref<1000000x32xf32, #tpu.memory_space<hbm>>) target(%arg9 : memref<512x32xf32, #tpu.memory_space<vmem>>) offsets(%arg7 : memref<512xi32, #tpu.memory_space<vmem>>) semaphore(%arg12 : memref<!tpu.dma_semaphore, #tpu.memory_space<semaphore_mem>>)
    %dma_start3A_5 = arith.constant 0 : i32
    %dma_start3A_6 = arith.constant 0 : i32
    %dma_start3A_7 = tpu.memref_slice %arg5[%dma_start3A_5, %dma_start3A_6] : memref<1000000x32xf32, #tpu.memory_space<hbm>> -> memref<1000000x32xf32, #tpu.memory_space<hbm>>
    tpu.enqueue_indirect_dma source(%dma_start3A_7 : memref<1000000x32xf32, #tpu.memory_space<hbm>>) target(%arg10 : memref<512x32xf32, #tpu.memory_space<vmem>>) offsets(%arg8 : memref<512xi32, #tpu.memory_space<vmem>>) semaphore(%arg13 : memref<!tpu.dma_semaphore, #tpu.memory_space<semaphore_mem>>)
    %dma_wait3A = arith.constant 0 : i32
    %dma_wait3A_8 = arith.constant 0 : i32
    %dma_wait3A_9 = tpu.memref_slice %arg4[%dma_wait3A, %dma_wait3A_8] : memref<1000000x32xf32, #tpu.memory_space<hbm>> -> memref<1000000x32xf32, #tpu.memory_space<hbm>>
    tpu.wait_indirect_dma semaphore(%arg12 : memref<!tpu.dma_semaphore, #tpu.memory_space<semaphore_mem>>) src(%dma_wait3A_9 : memref<1000000x32xf32, #tpu.memory_space<hbm>>) dst(%arg9 : memref<512x32xf32, #tpu.memory_space<vmem>>)
    %dma_wait3A_10 = arith.constant 0 : i32
    %dma_wait3A_11 = arith.constant 0 : i32
    %dma_wait3A_12 = tpu.memref_slice %arg5[%dma_wait3A_10, %dma_wait3A_11] : memref<1000000x32xf32, #tpu.memory_space<hbm>> -> memref<1000000x32xf32, #tpu.memory_space<hbm>>
    tpu.wait_indirect_dma semaphore(%arg13 : memref<!tpu.dma_semaphore, #tpu.memory_space<semaphore_mem>>) src(%dma_wait3A_12 : memref<1000000x32xf32, #tpu.memory_space<hbm>>) dst(%arg10 : memref<512x32xf32, #tpu.memory_space<vmem>>)
    %iota3A = tpu.iota {dimensions = array<i32: 0>} : vector<16xi32>
    %add3A_13 = arith.constant 8 : i32
    %add3A_14 = vector.broadcast %add3A_13 : i32 to vector<16xi32>
    %add3A_15 = arith.addi %iota3A, %add3A_14 : vector<16xi32>
    %and3A = arith.constant 15 : i32
    %and3A_16 = vector.broadcast %and3A : i32 to vector<16xi32>
    %and3A_17 = arith.andi %add3A_15, %and3A_16 : vector<16xi32>
    %add3A_18 = arith.constant 4 : i32
    %add3A_19 = vector.broadcast %add3A_18 : i32 to vector<16xi32>
    %add3A_20 = arith.addi %iota3A, %add3A_19 : vector<16xi32>
    %and3A_21 = arith.constant 15 : i32
    %and3A_22 = vector.broadcast %and3A_21 : i32 to vector<16xi32>
    %and3A_23 = arith.andi %add3A_20, %and3A_22 : vector<16xi32>
    %add3A_24 = arith.constant 2 : i32
    %add3A_25 = vector.broadcast %add3A_24 : i32 to vector<16xi32>
    %add3A_26 = arith.addi %iota3A, %add3A_25 : vector<16xi32>
    %and3A_27 = arith.constant 15 : i32
    %and3A_28 = vector.broadcast %and3A_27 : i32 to vector<16xi32>
    %and3A_29 = arith.andi %add3A_26, %and3A_28 : vector<16xi32>
    %add3A_30 = arith.constant 1 : i32
    %add3A_31 = vector.broadcast %add3A_30 : i32 to vector<16xi32>
    %add3A_32 = arith.addi %iota3A, %add3A_31 : vector<16xi32>
    %and3A_33 = arith.constant 15 : i32
    %and3A_34 = vector.broadcast %and3A_33 : i32 to vector<16xi32>
    %and3A_35 = arith.andi %add3A_32, %and3A_34 : vector<16xi32>
    %scan3A = arith.constant 0 : i32
    %scan3A_36 = arith.constant 0 : i32
    %scan3A_37 = arith.constant 32 : i32
    %scan3A_38 = arith.addi %scan3A_36, %scan3A_37 : i32
    %scan3A_39 = arith.constant 1 : i32
    scf.for %scan3A_41 = %scan3A_36 to %scan3A_38 step %scan3A_39  : i32 {
      %mul3A_42 = arith.constant 16 : i32
      %mul3A_43 = arith.muli %scan3A_41, %mul3A_42 : i32
      %broadcast_in_dim3A = arith.constant 0.000000e+00 : f32
      %broadcast_in_dim3A_44 = vector.broadcast %broadcast_in_dim3A : f32 to vector<16xf32>
      %add3A_45 = arith.constant 0 : i32
      %add3A_46 = arith.addi %mul3A_43, %add3A_45 : i32
      %get3A = arith.index_cast %add3A_46 : i32 to index
      %get3A_47 = arith.constant 0 : index
      %get3A_48 = tpu.vector_load %arg9[%get3A, %get3A_47] {strides = array<i32>} : memref<512x32xf32, #tpu.memory_space<vmem>>, vector<1x16xf32>,
      %get3A_49 = vector.shape_cast %get3A_48 : vector<1x16xf32> to vector<16xf32>
      %get3A_50 = arith.index_cast %add3A_46 : i32 to index
      %get3A_51 = arith.constant 16 : index
      %get3A_52 = tpu.vector_load %arg9[%get3A_50, %get3A_51] {strides = array<i32>} : memref<512x32xf32, #tpu.memory_space<vmem>>, vector<1x16xf32>,
      %get3A_53 = vector.shape_cast %get3A_52 : vector<1x16xf32> to vector<16xf32>
      %get3A_54 = arith.index_cast %add3A_46 : i32 to index
      %get3A_55 = arith.constant 0 : index
      %get3A_56 = tpu.vector_load %arg10[%get3A_54, %get3A_55] {strides = array<i32>} : memref<512x32xf32, #tpu.memory_space<vmem>>, vector<1x16xf32>,
      %get3A_57 = vector.shape_cast %get3A_56 : vector<1x16xf32> to vector<16xf32>
      %get3A_58 = arith.index_cast %add3A_46 : i32 to index
      %get3A_59 = arith.constant 16 : index
      %get3A_60 = tpu.vector_load %arg10[%get3A_58, %get3A_59] {strides = array<i32>} : memref<512x32xf32, #tpu.memory_space<vmem>>, vector<1x16xf32>,
      %get3A_61 = vector.shape_cast %get3A_60 : vector<1x16xf32> to vector<16xf32>
      %mul3A_62 = arith.mulf %get3A_49, %get3A_57 : vector<16xf32>
      %mul3A_63 = arith.mulf %get3A_53, %get3A_61 : vector<16xf32>
      %add3A_64 = arith.addf %mul3A_62, %mul3A_63 : vector<16xf32>
      %lt3A = arith.constant 0 : i32
      %lt3A_65 = vector.broadcast %lt3A : i32 to vector<16xi32>
      %lt3A_66 = arith.cmpi slt, %and3A_17, %lt3A_65 : vector<16xi32>
      %add3A_67 = arith.constant 16 : i32
      %add3A_68 = vector.broadcast %add3A_67 : i32 to vector<16xi32>
      %add3A_69 = arith.addi %and3A_17, %add3A_68 : vector<16xi32>
      %select_n3A = arith.select %lt3A_66, %add3A_69, %and3A_17 : vector<16xi1>, vector<16xi32>
      %broadcast_in_dim3A_70 = vector.shape_cast %select_n3A : vector<16xi32> to vector<16x1xi32>
      %gather3A = vector.shape_cast %broadcast_in_dim3A_70 : vector<16x1xi32> to vector<16xi32>
      %gather3A_71 = tpu.dynamic_gather %add3A_64[%gather3A] in [0] : vector<16xf32>, vector<16xi32> -> vector<16xf32>
      %add3A_72 = arith.addf %add3A_64, %gather3A_71 : vector<16xf32>
      %lt3A_73 = arith.constant 0 : i32
      %lt3A_74 = vector.broadcast %lt3A_73 : i32 to vector<16xi32>
      %lt3A_75 = arith.cmpi slt, %and3A_23, %lt3A_74 : vector<16xi32>
      %add3A_76 = arith.constant 16 : i32
      %add3A_77 = vector.broadcast %add3A_76 : i32 to vector<16xi32>
      %add3A_78 = arith.addi %and3A_23, %add3A_77 : vector<16xi32>
      %select_n3A_79 = arith.select %lt3A_75, %add3A_78, %and3A_23 : vector<16xi1>, vector<16xi32>
      %broadcast_in_dim3A_80 = vector.shape_cast %select_n3A_79 : vector<16xi32> to vector<16x1xi32>
      %gather3A_81 = vector.shape_cast %broadcast_in_dim3A_80 : vector<16x1xi32> to vector<16xi32>
      %gather3A_82 = tpu.dynamic_gather %add3A_72[%gather3A_81] in [0] : vector<16xf32>, vector<16xi32> -> vector<16xf32>
      %add3A_83 = arith.addf %add3A_72, %gather3A_82 : vector<16xf32>
      %lt3A_84 = arith.constant 0 : i32
      %lt3A_85 = vector.broadcast %lt3A_84 : i32 to vector<16xi32>
      %lt3A_86 = arith.cmpi slt, %and3A_29, %lt3A_85 : vector<16xi32>
      %add3A_87 = arith.constant 16 : i32
      %add3A_88 = vector.broadcast %add3A_87 : i32 to vector<16xi32>
      %add3A_89 = arith.addi %and3A_29, %add3A_88 : vector<16xi32>
      %select_n3A_90 = arith.select %lt3A_86, %add3A_89, %and3A_29 : vector<16xi1>, vector<16xi32>
      %broadcast_in_dim3A_91 = vector.shape_cast %select_n3A_90 : vector<16xi32> to vector<16x1xi32>
      %gather3A_92 = vector.shape_cast %broadcast_in_dim3A_91 : vector<16x1xi32> to vector<16xi32>
      %gather3A_93 = tpu.dynamic_gather %add3A_83[%gather3A_92] in [0] : vector<16xf32>, vector<16xi32> -> vector<16xf32>
      %add3A_94 = arith.addf %add3A_83, %gather3A_93 : vector<16xf32>
      %lt3A_95 = arith.constant 0 : i32
      %lt3A_96 = vector.broadcast %lt3A_95 : i32 to vector<16xi32>
      %lt3A_97 = arith.cmpi slt, %and3A_35, %lt3A_96 : vector<16xi32>
      %add3A_98 = arith.constant 16 : i32
      %add3A_99 = vector.broadcast %add3A_98 : i32 to vector<16xi32>
      %add3A_100 = arith.addi %and3A_35, %add3A_99 : vector<16xi32>
      %select_n3A_101 = arith.select %lt3A_97, %add3A_100, %and3A_35 : vector<16xi1>, vector<16xi32>
      %broadcast_in_dim3A_102 = vector.shape_cast %select_n3A_101 : vector<16xi32> to vector<16x1xi32>
      %gather3A_103 = vector.shape_cast %broadcast_in_dim3A_102 : vector<16x1xi32> to vector<16xi32>
      %gather3A_104 = tpu.dynamic_gather %add3A_94[%gather3A_103] in [0] : vector<16xf32>, vector<16xi32> -> vector<16xf32>
      %add3A_105 = arith.addf %add3A_94, %gather3A_104 : vector<16xf32>
      %eq3A = arith.constant 0 : i32
      %eq3A_106 = vector.broadcast %eq3A : i32 to vector<16xi32>
      %eq3A_107 = arith.cmpi eq, %iota3A, %eq3A_106 : vector<16xi32>
      %select_n3A_108 = arith.select %eq3A_107, %add3A_105, %broadcast_in_dim3A_44 : vector<16xi1>, vector<16xf32>
      %add3A_109 = arith.constant 1 : i32
      %add3A_110 = arith.addi %mul3A_43, %add3A_109 : i32
      %get3A_111 = arith.index_cast %add3A_110 : i32 to index
      %get3A_112 = arith.constant 0 : index
      %get3A_113 = tpu.vector_load %arg9[%get3A_111, %get3A_112] {strides = array<i32>} : memref<512x32xf32, #tpu.memory_space<vmem>>, vector<1x16xf32>,
      %get3A_114 = vector.shape_cast %get3A_113 : vector<1x16xf32> to vector<16xf32>
      %get3A_115 = arith.index_cast %add3A_110 : i32 to index
      %get3A_116 = arith.constant 16 : index
      %get3A_117 = tpu.vector_load %arg9[%get3A_115, %get3A_116] {strides = array<i32>} : memref<512x32xf32, #tpu.memory_space<vmem>>, vector<1x16xf32>,
      %get3A_118 = vector.shape_cast %get3A_117 : vector<1x16xf32> to vector<16xf32>
      %get3A_119 = arith.index_cast %add3A_110 : i32 to index
      %get3A_120 = arith.constant 0 : index
      %get3A_121 = tpu.vector_load %arg10[%get3A_119, %get3A_120] {strides = array<i32>} : memref<512x32xf32, #tpu.memory_space<vmem>>, vector<1x16xf32>,
      %get3A_122 = vector.shape_cast %get3A_121 : vector<1x16xf32> to vector<16xf32>
      %get3A_123 = arith.index_cast %add3A_110 : i32 to index
      %get3A_124 = arith.constant 16 : index
      %get3A_125 = tpu.vector_load %arg10[%get3A_123, %get3A_124] {strides = array<i32>} : memref<512x32xf32, #tpu.memory_space<vmem>>, vector<1x16xf32>,
      %get3A_126 = vector.shape_cast %get3A_125 : vector<1x16xf32> to vector<16xf32>
      %mul3A_127 = arith.mulf %get3A_114, %get3A_122 : vector<16xf32>
      %mul3A_128 = arith.mulf %get3A_118, %get3A_126 : vector<16xf32>
      %add3A_129 = arith.addf %mul3A_127, %mul3A_128 : vector<16xf32>
      %lt3A_130 = arith.constant 0 : i32
      %lt3A_131 = vector.broadcast %lt3A_130 : i32 to vector<16xi32>
      %lt3A_132 = arith.cmpi slt, %and3A_17, %lt3A_131 : vector<16xi32>
      %add3A_133 = arith.constant 16 : i32
      %add3A_134 = vector.broadcast %add3A_133 : i32 to vector<16xi32>
      %add3A_135 = arith.addi %and3A_17, %add3A_134 : vector<16xi32>
      %select_n3A_136 = arith.select %lt3A_132, %add3A_135, %and3A_17 : vector<16xi1>, vector<16xi32>
      %broadcast_in_dim3A_137 = vector.shape_cast %select_n3A_136 : vector<16xi32> to vector<16x1xi32>
      %gather3A_138 = vector.shape_cast %broadcast_in_dim3A_137 : vector<16x1xi32> to vector<16xi32>
      %gather3A_139 = tpu.dynamic_gather %add3A_129[%gather3A_138] in [0] : vector<16xf32>, vector<16xi32> -> vector<16xf32>
      %add3A_140 = arith.addf %add3A_129, %gather3A_139 : vector<16xf32>
      %lt3A_141 = arith.constant 0 : i32
      %lt3A_142 = vector.broadcast %lt3A_141 : i32 to vector<16xi32>
      %lt3A_143 = arith.cmpi slt, %and3A_23, %lt3A_142 : vector<16xi32>
      %add3A_144 = arith.constant 16 : i32
      %add3A_145 = vector.broadcast %add3A_144 : i32 to vector<16xi32>
      %add3A_146 = arith.addi %and3A_23, %add3A_145 : vector<16xi32>
      %select_n3A_147 = arith.select %lt3A_143, %add3A_146, %and3A_23 : vector<16xi1>, vector<16xi32>
      %broadcast_in_dim3A_148 = vector.shape_cast %select_n3A_147 : vector<16xi32> to vector<16x1xi32>
      %gather3A_149 = vector.shape_cast %broadcast_in_dim3A_148 : vector<16x1xi32> to vector<16xi32>
      %gather3A_150 = tpu.dynamic_gather %add3A_140[%gather3A_149] in [0] : vector<16xf32>, vector<16xi32> -> vector<16xf32>
      %add3A_151 = arith.addf %add3A_140, %gather3A_150 : vector<16xf32>
      %lt3A_152 = arith.constant 0 : i32
      %lt3A_153 = vector.broadcast %lt3A_152 : i32 to vector<16xi32>
      %lt3A_154 = arith.cmpi slt, %and3A_29, %lt3A_153 : vector<16xi32>
      %add3A_155 = arith.constant 16 : i32
      %add3A_156 = vector.broadcast %add3A_155 : i32 to vector<16xi32>
      %add3A_157 = arith.addi %and3A_29, %add3A_156 : vector<16xi32>
      %select_n3A_158 = arith.select %lt3A_154, %add3A_157, %and3A_29 : vector<16xi1>, vector<16xi32>
      %broadcast_in_dim3A_159 = vector.shape_cast %select_n3A_158 : vector<16xi32> to vector<16x1xi32>
      %gather3A_160 = vector.shape_cast %broadcast_in_dim3A_159 : vector<16x1xi32> to vector<16xi32>
      %gather3A_161 = tpu.dynamic_gather %add3A_151[%gather3A_160] in [0] : vector<16xf32>, vector<16xi32> -> vector<16xf32>
      %add3A_162 = arith.addf %add3A_151, %gather3A_161 : vector<16xf32>
      %lt3A_163 = arith.constant 0 : i32
      %lt3A_164 = vector.broadcast %lt3A_163 : i32 to vector<16xi32>
      %lt3A_165 = arith.cmpi slt, %and3A_35, %lt3A_164 : vector<16xi32>
      %add3A_166 = arith.constant 16 : i32
      %add3A_167 = vector.broadcast %add3A_166 : i32 to vector<16xi32>
      %add3A_168 = arith.addi %and3A_35, %add3A_167 : vector<16xi32>
      %select_n3A_169 = arith.select %lt3A_165, %add3A_168, %and3A_35 : vector<16xi1>, vector<16xi32>
      %broadcast_in_dim3A_170 = vector.shape_cast %select_n3A_169 : vector<16xi32> to vector<16x1xi32>
      %gather3A_171 = vector.shape_cast %broadcast_in_dim3A_170 : vector<16x1xi32> to vector<16xi32>
      %gather3A_172 = tpu.dynamic_gather %add3A_162[%gather3A_171] in [0] : vector<16xf32>, vector<16xi32> -> vector<16xf32>
      %add3A_173 = arith.addf %add3A_162, %gather3A_172 : vector<16xf32>
      %eq3A_174 = arith.constant 1 : i32
      %eq3A_175 = vector.broadcast %eq3A_174 : i32 to vector<16xi32>
      %eq3A_176 = arith.cmpi eq, %iota3A, %eq3A_175 : vector<16xi32>
      %select_n3A_177 = arith.select %eq3A_176, %add3A_173, %select_n3A_108 : vector<16xi1>, vector<16xf32>
      %add3A_178 = arith.constant 2 : i32
      %add3A_179 = arith.addi %mul3A_43, %add3A_178 : i32
      %get3A_180 = arith.index_cast %add3A_179 : i32 to index
      %get3A_181 = arith.constant 0 : index
      %get3A_182 = tpu.vector_load %arg9[%get3A_180, %get3A_181] {strides = array<i32>} : memref<512x32xf32, #tpu.memory_space<vmem>>, vector<1x16xf32>,
      %get3A_183 = vector.shape_cast %get3A_182 : vector<1x16xf32> to vector<16xf32>
      %get3A_184 = arith.index_cast %add3A_179 : i32 to index
      %get3A_185 = arith.constant 16 : index
      %get3A_186 = tpu.vector_load %arg9[%get3A_184, %get3A_185] {strides = array<i32>} : memref<512x32xf32, #tpu.memory_space<vmem>>, vector<1x16xf32>,
      %get3A_187 = vector.shape_cast %get3A_186 : vector<1x16xf32> to vector<16xf32>
      %get3A_188 = arith.index_cast %add3A_179 : i32 to index
      %get3A_189 = arith.constant 0 : index
      %get3A_190 = tpu.vector_load %arg10[%get3A_188, %get3A_189] {strides = array<i32>} : memref<512x32xf32, #tpu.memory_space<vmem>>, vector<1x16xf32>,
      %get3A_191 = vector.shape_cast %get3A_190 : vector<1x16xf32> to vector<16xf32>
      %get3A_192 = arith.index_cast %add3A_179 : i32 to index
      %get3A_193 = arith.constant 16 : index
      %get3A_194 = tpu.vector_load %arg10[%get3A_192, %get3A_193] {strides = array<i32>} : memref<512x32xf32, #tpu.memory_space<vmem>>, vector<1x16xf32>,
      %get3A_195 = vector.shape_cast %get3A_194 : vector<1x16xf32> to vector<16xf32>
      %mul3A_196 = arith.mulf %get3A_183, %get3A_191 : vector<16xf32>
      %mul3A_197 = arith.mulf %get3A_187, %get3A_195 : vector<16xf32>
      %add3A_198 = arith.addf %mul3A_196, %mul3A_197 : vector<16xf32>
      %lt3A_199 = arith.constant 0 : i32
      %lt3A_200 = vector.broadcast %lt3A_199 : i32 to vector<16xi32>
      %lt3A_201 = arith.cmpi slt, %and3A_17, %lt3A_200 : vector<16xi32>
      %add3A_202 = arith.constant 16 : i32
      %add3A_203 = vector.broadcast %add3A_202 : i32 to vector<16xi32>
      %add3A_204 = arith.addi %and3A_17, %add3A_203 : vector<16xi32>
      %select_n3A_205 = arith.select %lt3A_201, %add3A_204, %and3A_17 : vector<16xi1>, vector<16xi32>
      %broadcast_in_dim3A_206 = vector.shape_cast %select_n3A_205 : vector<16xi32> to vector<16x1xi32>
      %gather3A_207 = vector.shape_cast %broadcast_in_dim3A_206 : vector<16x1xi32> to vector<16xi32>
      %gather3A_208 = tpu.dynamic_gather %add3A_198[%gather3A_207] in [0] : vector<16xf32>, vector<16xi32> -> vector<16xf32>
      %add3A_209 = arith.addf %add3A_198, %gather3A_208 : vector<16xf32>
      %lt3A_210 = arith.constant 0 : i32
      %lt3A_211 = vector.broadcast %lt3A_210 : i32 to vector<16xi32>
      %lt3A_212 = arith.cmpi slt, %and3A_23, %lt3A_211 : vector<16xi32>
      %add3A_213 = arith.constant 16 : i32
      %add3A_214 = vector.broadcast %add3A_213 : i32 to vector<16xi32>
      %add3A_215 = arith.addi %and3A_23, %add3A_214 : vector<16xi32>
      %select_n3A_216 = arith.select %lt3A_212, %add3A_215, %and3A_23 : vector<16xi1>, vector<16xi32>
      %broadcast_in_dim3A_217 = vector.shape_cast %select_n3A_216 : vector<16xi32> to vector<16x1xi32>
      %gather3A_218 = vector.shape_cast %broadcast_in_dim3A_217 : vector<16x1xi32> to vector<16xi32>
      %gather3A_219 = tpu.dynamic_gather %add3A_209[%gather3A_218] in [0] : vector<16xf32>, vector<16xi32> -> vector<16xf32>
      %add3A_220 = arith.addf %add3A_209, %gather3A_219 : vector<16xf32>
      %lt3A_221 = arith.constant 0 : i32
      %lt3A_222 = vector.broadcast %lt3A_221 : i32 to vector<16xi32>
      %lt3A_223 = arith.cmpi slt, %and3A_29, %lt3A_222 : vector<16xi32>
      %add3A_224 = arith.constant 16 : i32
      %add3A_225 = vector.broadcast %add3A_224 : i32 to vector<16xi32>
      %add3A_226 = arith.addi %and3A_29, %add3A_225 : vector<16xi32>
      %select_n3A_227 = arith.select %lt3A_223, %add3A_226, %and3A_29 : vector<16xi1>, vector<16xi32>
      %broadcast_in_dim3A_228 = vector.shape_cast %select_n3A_227 : vector<16xi32> to vector<16x1xi32>
      %gather3A_229 = vector.shape_cast %broadcast_in_dim3A_228 : vector<16x1xi32> to vector<16xi32>
      %gather3A_230 = tpu.dynamic_gather %add3A_220[%gather3A_229] in [0] : vector<16xf32>, vector<16xi32> -> vector<16xf32>
      %add3A_231 = arith.addf %add3A_220, %gather3A_230 : vector<16xf32>
      %lt3A_232 = arith.constant 0 : i32
      %lt3A_233 = vector.broadcast %lt3A_232 : i32 to vector<16xi32>
      %lt3A_234 = arith.cmpi slt, %and3A_35, %lt3A_233 : vector<16xi32>
      %add3A_235 = arith.constant 16 : i32
      %add3A_236 = vector.broadcast %add3A_235 : i32 to vector<16xi32>
      %add3A_237 = arith.addi %and3A_35, %add3A_236 : vector<16xi32>
      %select_n3A_238 = arith.select %lt3A_234, %add3A_237, %and3A_35 : vector<16xi1>, vector<16xi32>
      %broadcast_in_dim3A_239 = vector.shape_cast %select_n3A_238 : vector<16xi32> to vector<16x1xi32>
      %gather3A_240 = vector.shape_cast %broadcast_in_dim3A_239 : vector<16x1xi32> to vector<16xi32>
      %gather3A_241 = tpu.dynamic_gather %add3A_231[%gather3A_240] in [0] : vector<16xf32>, vector<16xi32> -> vector<16xf32>
      %add3A_242 = arith.addf %add3A_231, %gather3A_241 : vector<16xf32>
      %eq3A_243 = arith.constant 2 : i32
      %eq3A_244 = vector.broadcast %eq3A_243 : i32 to vector<16xi32>
      %eq3A_245 = arith.cmpi eq, %iota3A, %eq3A_244 : vector<16xi32>
      %select_n3A_246 = arith.select %eq3A_245, %add3A_242, %select_n3A_177 : vector<16xi1>, vector<16xf32>
      %add3A_247 = arith.constant 3 : i32
      %add3A_248 = arith.addi %mul3A_43, %add3A_247 : i32
      %get3A_249 = arith.index_cast %add3A_248 : i32 to index
      %get3A_250 = arith.constant 0 : index
      %get3A_251 = tpu.vector_load %arg9[%get3A_249, %get3A_250] {strides = array<i32>} : memref<512x32xf32, #tpu.memory_space<vmem>>, vector<1x16xf32>,
      %get3A_252 = vector.shape_cast %get3A_251 : vector<1x16xf32> to vector<16xf32>
      %get3A_253 = arith.index_cast %add3A_248 : i32 to index
      %get3A_254 = arith.constant 16 : index
      %get3A_255 = tpu.vector_load %arg9[%get3A_253, %get3A_254] {strides = array<i32>} : memref<512x32xf32, #tpu.memory_space<vmem>>, vector<1x16xf32>,
      %get3A_256 = vector.shape_cast %get3A_255 : vector<1x16xf32> to vector<16xf32>
      %get3A_257 = arith.index_cast %add3A_248 : i32 to index
      %get3A_258 = arith.constant 0 : index
      %get3A_259 = tpu.vector_load %arg10[%get3A_257, %get3A_258] {strides = array<i32>} : memref<512x32xf32, #tpu.memory_space<vmem>>, vector<1x16xf32>,
      %get3A_260 = vector.shape_cast %get3A_259 : vector<1x16xf32> to vector<16xf32>
      %get3A_261 = arith.index_cast %add3A_248 : i32 to index
      %get3A_262 = arith.constant 16 : index
      %get3A_263 = tpu.vector_load %arg10[%get3A_261, %get3A_262] {strides = array<i32>} : memref<512x32xf32, #tpu.memory_space<vmem>>, vector<1x16xf32>,
      %get3A_264 = vector.shape_cast %get3A_263 : vector<1x16xf32> to vector<16xf32>
      %mul3A_265 = arith.mulf %get3A_252, %get3A_260 : vector<16xf32>
      %mul3A_266 = arith.mulf %get3A_256, %get3A_264 : vector<16xf32>
      %add3A_267 = arith.addf %mul3A_265, %mul3A_266 : vector<16xf32>
      %lt3A_268 = arith.constant 0 : i32
      %lt3A_269 = vector.broadcast %lt3A_268 : i32 to vector<16xi32>
      %lt3A_270 = arith.cmpi slt, %and3A_17, %lt3A_269 : vector<16xi32>
      %add3A_271 = arith.constant 16 : i32
      %add3A_272 = vector.broadcast %add3A_271 : i32 to vector<16xi32>
      %add3A_273 = arith.addi %and3A_17, %add3A_272 : vector<16xi32>
      %select_n3A_274 = arith.select %lt3A_270, %add3A_273, %and3A_17 : vector<16xi1>, vector<16xi32>
      %broadcast_in_dim3A_275 = vector.shape_cast %select_n3A_274 : vector<16xi32> to vector<16x1xi32>
      %gather3A_276 = vector.shape_cast %broadcast_in_dim3A_275 : vector<16x1xi32> to vector<16xi32>
      %gather3A_277 = tpu.dynamic_gather %add3A_267[%gather3A_276] in [0] : vector<16xf32>, vector<16xi32> -> vector<16xf32>
      %add3A_278 = arith.addf %add3A_267, %gather3A_277 : vector<16xf32>
      %lt3A_279 = arith.constant 0 : i32
      %lt3A_280 = vector.broadcast %lt3A_279 : i32 to vector<16xi32>
      %lt3A_281 = arith.cmpi slt, %and3A_23, %lt3A_280 : vector<16xi32>
      %add3A_282 = arith.constant 16 : i32
      %add3A_283 = vector.broadcast %add3A_282 : i32 to vector<16xi32>
      %add3A_284 = arith.addi %and3A_23, %add3A_283 : vector<16xi32>
      %select_n3A_285 = arith.select %lt3A_281, %add3A_284, %and3A_23 : vector<16xi1>, vector<16xi32>
      %broadcast_in_dim3A_286 = vector.shape_cast %select_n3A_285 : vector<16xi32> to vector<16x1xi32>
      %gather3A_287 = vector.shape_cast %broadcast_in_dim3A_286 : vector<16x1xi32> to vector<16xi32>
      %gather3A_288 = tpu.dynamic_gather %add3A_278[%gather3A_287] in [0] : vector<16xf32>, vector<16xi32> -> vector<16xf32>
      %add3A_289 = arith.addf %add3A_278, %gather3A_288 : vector<16xf32>
      %lt3A_290 = arith.constant 0 : i32
      %lt3A_291 = vector.broadcast %lt3A_290 : i32 to vector<16xi32>
      %lt3A_292 = arith.cmpi slt, %and3A_29, %lt3A_291 : vector<16xi32>
      %add3A_293 = arith.constant 16 : i32
      %add3A_294 = vector.broadcast %add3A_293 : i32 to vector<16xi32>
      %add3A_295 = arith.addi %and3A_29, %add3A_294 : vector<16xi32>
      %select_n3A_296 = arith.select %lt3A_292, %add3A_295, %and3A_29 : vector<16xi1>, vector<16xi32>
      %broadcast_in_dim3A_297 = vector.shape_cast %select_n3A_296 : vector<16xi32> to vector<16x1xi32>
      %gather3A_298 = vector.shape_cast %broadcast_in_dim3A_297 : vector<16x1xi32> to vector<16xi32>
      %gather3A_299 = tpu.dynamic_gather %add3A_289[%gather3A_298] in [0] : vector<16xf32>, vector<16xi32> -> vector<16xf32>
      %add3A_300 = arith.addf %add3A_289, %gather3A_299 : vector<16xf32>
      %lt3A_301 = arith.constant 0 : i32
      %lt3A_302 = vector.broadcast %lt3A_301 : i32 to vector<16xi32>
      %lt3A_303 = arith.cmpi slt, %and3A_35, %lt3A_302 : vector<16xi32>
      %add3A_304 = arith.constant 16 : i32
      %add3A_305 = vector.broadcast %add3A_304 : i32 to vector<16xi32>
      %add3A_306 = arith.addi %and3A_35, %add3A_305 : vector<16xi32>
      %select_n3A_307 = arith.select %lt3A_303, %add3A_306, %and3A_35 : vector<16xi1>, vector<16xi32>
      %broadcast_in_dim3A_308 = vector.shape_cast %select_n3A_307 : vector<16xi32> to vector<16x1xi32>
      %gather3A_309 = vector.shape_cast %broadcast_in_dim3A_308 : vector<16x1xi32> to vector<16xi32>
      %gather3A_310 = tpu.dynamic_gather %add3A_300[%gather3A_309] in [0] : vector<16xf32>, vector<16xi32> -> vector<16xf32>
      %add3A_311 = arith.addf %add3A_300, %gather3A_310 : vector<16xf32>
      %eq3A_312 = arith.constant 3 : i32
      %eq3A_313 = vector.broadcast %eq3A_312 : i32 to vector<16xi32>
      %eq3A_314 = arith.cmpi eq, %iota3A, %eq3A_313 : vector<16xi32>
      %select_n3A_315 = arith.select %eq3A_314, %add3A_311, %select_n3A_246 : vector<16xi1>, vector<16xf32>
      %add3A_316 = arith.constant 4 : i32
      %add3A_317 = arith.addi %mul3A_43, %add3A_316 : i32
      %get3A_318 = arith.index_cast %add3A_317 : i32 to index
      %get3A_319 = arith.constant 0 : index
      %get3A_320 = tpu.vector_load %arg9[%get3A_318, %get3A_319] {strides = array<i32>} : memref<512x32xf32, #tpu.memory_space<vmem>>, vector<1x16xf32>,
      %get3A_321 = vector.shape_cast %get3A_320 : vector<1x16xf32> to vector<16xf32>
      %get3A_322 = arith.index_cast %add3A_317 : i32 to index
      %get3A_323 = arith.constant 16 : index
      %get3A_324 = tpu.vector_load %arg9[%get3A_322, %get3A_323] {strides = array<i32>} : memref<512x32xf32, #tpu.memory_space<vmem>>, vector<1x16xf32>,
      %get3A_325 = vector.shape_cast %get3A_324 : vector<1x16xf32> to vector<16xf32>
      %get3A_326 = arith.index_cast %add3A_317 : i32 to index
      %get3A_327 = arith.constant 0 : index
      %get3A_328 = tpu.vector_load %arg10[%get3A_326, %get3A_327] {strides = array<i32>} : memref<512x32xf32, #tpu.memory_space<vmem>>, vector<1x16xf32>,
      %get3A_329 = vector.shape_cast %get3A_328 : vector<1x16xf32> to vector<16xf32>
      %get3A_330 = arith.index_cast %add3A_317 : i32 to index
      %get3A_331 = arith.constant 16 : index
      %get3A_332 = tpu.vector_load %arg10[%get3A_330, %get3A_331] {strides = array<i32>} : memref<512x32xf32, #tpu.memory_space<vmem>>, vector<1x16xf32>,
      %get3A_333 = vector.shape_cast %get3A_332 : vector<1x16xf32> to vector<16xf32>
      %mul3A_334 = arith.mulf %get3A_321, %get3A_329 : vector<16xf32>
      %mul3A_335 = arith.mulf %get3A_325, %get3A_333 : vector<16xf32>
      %add3A_336 = arith.addf %mul3A_334, %mul3A_335 : vector<16xf32>
      %lt3A_337 = arith.constant 0 : i32
      %lt3A_338 = vector.broadcast %lt3A_337 : i32 to vector<16xi32>
      %lt3A_339 = arith.cmpi slt, %and3A_17, %lt3A_338 : vector<16xi32>
      %add3A_340 = arith.constant 16 : i32
      %add3A_341 = vector.broadcast %add3A_340 : i32 to vector<16xi32>
      %add3A_342 = arith.addi %and3A_17, %add3A_341 : vector<16xi32>
      %select_n3A_343 = arith.select %lt3A_339, %add3A_342, %and3A_17 : vector<16xi1>, vector<16xi32>
      %broadcast_in_dim3A_344 = vector.shape_cast %select_n3A_343 : vector<16xi32> to vector<16x1xi32>
      %gather3A_345 = vector.shape_cast %broadcast_in_dim3A_344 : vector<16x1xi32> to vector<16xi32>
      %gather3A_346 = tpu.dynamic_gather %add3A_336[%gather3A_345] in [0] : vector<16xf32>, vector<16xi32> -> vector<16xf32>
      %add3A_347 = arith.addf %add3A_336, %gather3A_346 : vector<16xf32>
      %lt3A_348 = arith.constant 0 : i32
      %lt3A_349 = vector.broadcast %lt3A_348 : i32 to vector<16xi32>
      %lt3A_350 = arith.cmpi slt, %and3A_23, %lt3A_349 : vector<16xi32>
      %add3A_351 = arith.constant 16 : i32
      %add3A_352 = vector.broadcast %add3A_351 : i32 to vector<16xi32>
      %add3A_353 = arith.addi %and3A_23, %add3A_352 : vector<16xi32>
      %select_n3A_354 = arith.select %lt3A_350, %add3A_353, %and3A_23 : vector<16xi1>, vector<16xi32>
      %broadcast_in_dim3A_355 = vector.shape_cast %select_n3A_354 : vector<16xi32> to vector<16x1xi32>
      %gather3A_356 = vector.shape_cast %broadcast_in_dim3A_355 : vector<16x1xi32> to vector<16xi32>
      %gather3A_357 = tpu.dynamic_gather %add3A_347[%gather3A_356] in [0] : vector<16xf32>, vector<16xi32> -> vector<16xf32>
      %add3A_358 = arith.addf %add3A_347, %gather3A_357 : vector<16xf32>
      %lt3A_359 = arith.constant 0 : i32
      %lt3A_360 = vector.broadcast %lt3A_359 : i32 to vector<16xi32>
      %lt3A_361 = arith.cmpi slt, %and3A_29, %lt3A_360 : vector<16xi32>
      %add3A_362 = arith.constant 16 : i32
      %add3A_363 = vector.broadcast %add3A_362 : i32 to vector<16xi32>
      %add3A_364 = arith.addi %and3A_29, %add3A_363 : vector<16xi32>
      %select_n3A_365 = arith.select %lt3A_361, %add3A_364, %and3A_29 : vector<16xi1>, vector<16xi32>
      %broadcast_in_dim3A_366 = vector.shape_cast %select_n3A_365 : vector<16xi32> to vector<16x1xi32>
      %gather3A_367 = vector.shape_cast %broadcast_in_dim3A_366 : vector<16x1xi32> to vector<16xi32>
      %gather3A_368 = tpu.dynamic_gather %add3A_358[%gather3A_367] in [0] : vector<16xf32>, vector<16xi32> -> vector<16xf32>
      %add3A_369 = arith.addf %add3A_358, %gather3A_368 : vector<16xf32>
      %lt3A_370 = arith.constant 0 : i32
      %lt3A_371 = vector.broadcast %lt3A_370 : i32 to vector<16xi32>
      %lt3A_372 = arith.cmpi slt, %and3A_35, %lt3A_371 : vector<16xi32>
      %add3A_373 = arith.constant 16 : i32
      %add3A_374 = vector.broadcast %add3A_373 : i32 to vector<16xi32>
      %add3A_375 = arith.addi %and3A_35, %add3A_374 : vector<16xi32>
      %select_n3A_376 = arith.select %lt3A_372, %add3A_375, %and3A_35 : vector<16xi1>, vector<16xi32>
      %broadcast_in_dim3A_377 = vector.shape_cast %select_n3A_376 : vector<16xi32> to vector<16x1xi32>
      %gather3A_378 = vector.shape_cast %broadcast_in_dim3A_377 : vector<16x1xi32> to vector<16xi32>
      %gather3A_379 = tpu.dynamic_gather %add3A_369[%gather3A_378] in [0] : vector<16xf32>, vector<16xi32> -> vector<16xf32>
      %add3A_380 = arith.addf %add3A_369, %gather3A_379 : vector<16xf32>
      %eq3A_381 = arith.constant 4 : i32
      %eq3A_382 = vector.broadcast %eq3A_381 : i32 to vector<16xi32>
      %eq3A_383 = arith.cmpi eq, %iota3A, %eq3A_382 : vector<16xi32>
      %select_n3A_384 = arith.select %eq3A_383, %add3A_380, %select_n3A_315 : vector<16xi1>, vector<16xf32>
      %add3A_385 = arith.constant 5 : i32
      %add3A_386 = arith.addi %mul3A_43, %add3A_385 : i32
      %get3A_387 = arith.index_cast %add3A_386 : i32 to index
      %get3A_388 = arith.constant 0 : index
      %get3A_389 = tpu.vector_load %arg9[%get3A_387, %get3A_388] {strides = array<i32>} : memref<512x32xf32, #tpu.memory_space<vmem>>, vector<1x16xf32>,
      %get3A_390 = vector.shape_cast %get3A_389 : vector<1x16xf32> to vector<16xf32>
      %get3A_391 = arith.index_cast %add3A_386 : i32 to index
      %get3A_392 = arith.constant 16 : index
      %get3A_393 = tpu.vector_load %arg9[%get3A_391, %get3A_392] {strides = array<i32>} : memref<512x32xf32, #tpu.memory_space<vmem>>, vector<1x16xf32>,
      %get3A_394 = vector.shape_cast %get3A_393 : vector<1x16xf32> to vector<16xf32>
      %get3A_395 = arith.index_cast %add3A_386 : i32 to index
      %get3A_396 = arith.constant 0 : index
      %get3A_397 = tpu.vector_load %arg10[%get3A_395, %get3A_396] {strides = array<i32>} : memref<512x32xf32, #tpu.memory_space<vmem>>, vector<1x16xf32>,
      %get3A_398 = vector.shape_cast %get3A_397 : vector<1x16xf32> to vector<16xf32>
      %get3A_399 = arith.index_cast %add3A_386 : i32 to index
      %get3A_400 = arith.constant 16 : index
      %get3A_401 = tpu.vector_load %arg10[%get3A_399, %get3A_400] {strides = array<i32>} : memref<512x32xf32, #tpu.memory_space<vmem>>, vector<1x16xf32>,
      %get3A_402 = vector.shape_cast %get3A_401 : vector<1x16xf32> to vector<16xf32>
      %mul3A_403 = arith.mulf %get3A_390, %get3A_398 : vector<16xf32>
      %mul3A_404 = arith.mulf %get3A_394, %get3A_402 : vector<16xf32>
      %add3A_405 = arith.addf %mul3A_403, %mul3A_404 : vector<16xf32>
      %lt3A_406 = arith.constant 0 : i32
      %lt3A_407 = vector.broadcast %lt3A_406 : i32 to vector<16xi32>
      %lt3A_408 = arith.cmpi slt, %and3A_17, %lt3A_407 : vector<16xi32>
      %add3A_409 = arith.constant 16 : i32
      %add3A_410 = vector.broadcast %add3A_409 : i32 to vector<16xi32>
      %add3A_411 = arith.addi %and3A_17, %add3A_410 : vector<16xi32>
      %select_n3A_412 = arith.select %lt3A_408, %add3A_411, %and3A_17 : vector<16xi1>, vector<16xi32>
      %broadcast_in_dim3A_413 = vector.shape_cast %select_n3A_412 : vector<16xi32> to vector<16x1xi32>
      %gather3A_414 = vector.shape_cast %broadcast_in_dim3A_413 : vector<16x1xi32> to vector<16xi32>
      %gather3A_415 = tpu.dynamic_gather %add3A_405[%gather3A_414] in [0] : vector<16xf32>, vector<16xi32> -> vector<16xf32>
      %add3A_416 = arith.addf %add3A_405, %gather3A_415 : vector<16xf32>
      %lt3A_417 = arith.constant 0 : i32
      %lt3A_418 = vector.broadcast %lt3A_417 : i32 to vector<16xi32>
      %lt3A_419 = arith.cmpi slt, %and3A_23, %lt3A_418 : vector<16xi32>
      %add3A_420 = arith.constant 16 : i32
      %add3A_421 = vector.broadcast %add3A_420 : i32 to vector<16xi32>
      %add3A_422 = arith.addi %and3A_23, %add3A_421 : vector<16xi32>
      %select_n3A_423 = arith.select %lt3A_419, %add3A_422, %and3A_23 : vector<16xi1>, vector<16xi32>
      %broadcast_in_dim3A_424 = vector.shape_cast %select_n3A_423 : vector<16xi32> to vector<16x1xi32>
      %gather3A_425 = vector.shape_cast %broadcast_in_dim3A_424 : vector<16x1xi32> to vector<16xi32>
      %gather3A_426 = tpu.dynamic_gather %add3A_416[%gather3A_425] in [0] : vector<16xf32>, vector<16xi32> -> vector<16xf32>
      %add3A_427 = arith.addf %add3A_416, %gather3A_426 : vector<16xf32>
      %lt3A_428 = arith.constant 0 : i32
      %lt3A_429 = vector.broadcast %lt3A_428 : i32 to vector<16xi32>
      %lt3A_430 = arith.cmpi slt, %and3A_29, %lt3A_429 : vector<16xi32>
      %add3A_431 = arith.constant 16 : i32
      %add3A_432 = vector.broadcast %add3A_431 : i32 to vector<16xi32>
      %add3A_433 = arith.addi %and3A_29, %add3A_432 : vector<16xi32>
      %select_n3A_434 = arith.select %lt3A_430, %add3A_433, %and3A_29 : vector<16xi1>, vector<16xi32>
      %broadcast_in_dim3A_435 = vector.shape_cast %select_n3A_434 : vector<16xi32> to vector<16x1xi32>
      %gather3A_436 = vector.shape_cast %broadcast_in_dim3A_435 : vector<16x1xi32> to vector<16xi32>
      %gather3A_437 = tpu.dynamic_gather %add3A_427[%gather3A_436] in [0] : vector<16xf32>, vector<16xi32> -> vector<16xf32>
      %add3A_438 = arith.addf %add3A_427, %gather3A_437 : vector<16xf32>
      %lt3A_439 = arith.constant 0 : i32
      %lt3A_440 = vector.broadcast %lt3A_439 : i32 to vector<16xi32>
      %lt3A_441 = arith.cmpi slt, %and3A_35, %lt3A_440 : vector<16xi32>
      %add3A_442 = arith.constant 16 : i32
      %add3A_443 = vector.broadcast %add3A_442 : i32 to vector<16xi32>
      %add3A_444 = arith.addi %and3A_35, %add3A_443 : vector<16xi32>
      %select_n3A_445 = arith.select %lt3A_441, %add3A_444, %and3A_35 : vector<16xi1>, vector<16xi32>
      %broadcast_in_dim3A_446 = vector.shape_cast %select_n3A_445 : vector<16xi32> to vector<16x1xi32>
      %gather3A_447 = vector.shape_cast %broadcast_in_dim3A_446 : vector<16x1xi32> to vector<16xi32>
      %gather3A_448 = tpu.dynamic_gather %add3A_438[%gather3A_447] in [0] : vector<16xf32>, vector<16xi32> -> vector<16xf32>
      %add3A_449 = arith.addf %add3A_438, %gather3A_448 : vector<16xf32>
      %eq3A_450 = arith.constant 5 : i32
      %eq3A_451 = vector.broadcast %eq3A_450 : i32 to vector<16xi32>
      %eq3A_452 = arith.cmpi eq, %iota3A, %eq3A_451 : vector<16xi32>
      %select_n3A_453 = arith.select %eq3A_452, %add3A_449, %select_n3A_384 : vector<16xi1>, vector<16xf32>
      %add3A_454 = arith.constant 6 : i32
      %add3A_455 = arith.addi %mul3A_43, %add3A_454 : i32
      %get3A_456 = arith.index_cast %add3A_455 : i32 to index
      %get3A_457 = arith.constant 0 : index
      %get3A_458 = tpu.vector_load %arg9[%get3A_456, %get3A_457] {strides = array<i32>} : memref<512x32xf32, #tpu.memory_space<vmem>>, vector<1x16xf32>,
      %get3A_459 = vector.shape_cast %get3A_458 : vector<1x16xf32> to vector<16xf32>
      %get3A_460 = arith.index_cast %add3A_455 : i32 to index
      %get3A_461 = arith.constant 16 : index
      %get3A_462 = tpu.vector_load %arg9[%get3A_460, %get3A_461] {strides = array<i32>} : memref<512x32xf32, #tpu.memory_space<vmem>>, vector<1x16xf32>,
      %get3A_463 = vector.shape_cast %get3A_462 : vector<1x16xf32> to vector<16xf32>
      %get3A_464 = arith.index_cast %add3A_455 : i32 to index
      %get3A_465 = arith.constant 0 : index
      %get3A_466 = tpu.vector_load %arg10[%get3A_464, %get3A_465] {strides = array<i32>} : memref<512x32xf32, #tpu.memory_space<vmem>>, vector<1x16xf32>,
      %get3A_467 = vector.shape_cast %get3A_466 : vector<1x16xf32> to vector<16xf32>
      %get3A_468 = arith.index_cast %add3A_455 : i32 to index
      %get3A_469 = arith.constant 16 : index
      %get3A_470 = tpu.vector_load %arg10[%get3A_468, %get3A_469] {strides = array<i32>} : memref<512x32xf32, #tpu.memory_space<vmem>>, vector<1x16xf32>,
      %get3A_471 = vector.shape_cast %get3A_470 : vector<1x16xf32> to vector<16xf32>
      %mul3A_472 = arith.mulf %get3A_459, %get3A_467 : vector<16xf32>
      %mul3A_473 = arith.mulf %get3A_463, %get3A_471 : vector<16xf32>
      %add3A_474 = arith.addf %mul3A_472, %mul3A_473 : vector<16xf32>
      %lt3A_475 = arith.constant 0 : i32
      %lt3A_476 = vector.broadcast %lt3A_475 : i32 to vector<16xi32>
      %lt3A_477 = arith.cmpi slt, %and3A_17, %lt3A_476 : vector<16xi32>
      %add3A_478 = arith.constant 16 : i32
      %add3A_479 = vector.broadcast %add3A_478 : i32 to vector<16xi32>
      %add3A_480 = arith.addi %and3A_17, %add3A_479 : vector<16xi32>
      %select_n3A_481 = arith.select %lt3A_477, %add3A_480, %and3A_17 : vector<16xi1>, vector<16xi32>
      %broadcast_in_dim3A_482 = vector.shape_cast %select_n3A_481 : vector<16xi32> to vector<16x1xi32>
      %gather3A_483 = vector.shape_cast %broadcast_in_dim3A_482 : vector<16x1xi32> to vector<16xi32>
      %gather3A_484 = tpu.dynamic_gather %add3A_474[%gather3A_483] in [0] : vector<16xf32>, vector<16xi32> -> vector<16xf32>
      %add3A_485 = arith.addf %add3A_474, %gather3A_484 : vector<16xf32>
      %lt3A_486 = arith.constant 0 : i32
      %lt3A_487 = vector.broadcast %lt3A_486 : i32 to vector<16xi32>
      %lt3A_488 = arith.cmpi slt, %and3A_23, %lt3A_487 : vector<16xi32>
      %add3A_489 = arith.constant 16 : i32
      %add3A_490 = vector.broadcast %add3A_489 : i32 to vector<16xi32>
      %add3A_491 = arith.addi %and3A_23, %add3A_490 : vector<16xi32>
      %select_n3A_492 = arith.select %lt3A_488, %add3A_491, %and3A_23 : vector<16xi1>, vector<16xi32>
      %broadcast_in_dim3A_493 = vector.shape_cast %select_n3A_492 : vector<16xi32> to vector<16x1xi32>
      %gather3A_494 = vector.shape_cast %broadcast_in_dim3A_493 : vector<16x1xi32> to vector<16xi32>
      %gather3A_495 = tpu.dynamic_gather %add3A_485[%gather3A_494] in [0] : vector<16xf32>, vector<16xi32> -> vector<16xf32>
      %add3A_496 = arith.addf %add3A_485, %gather3A_495 : vector<16xf32>
      %lt3A_497 = arith.constant 0 : i32
      %lt3A_498 = vector.broadcast %lt3A_497 : i32 to vector<16xi32>
      %lt3A_499 = arith.cmpi slt, %and3A_29, %lt3A_498 : vector<16xi32>
      %add3A_500 = arith.constant 16 : i32
      %add3A_501 = vector.broadcast %add3A_500 : i32 to vector<16xi32>
      %add3A_502 = arith.addi %and3A_29, %add3A_501 : vector<16xi32>
      %select_n3A_503 = arith.select %lt3A_499, %add3A_502, %and3A_29 : vector<16xi1>, vector<16xi32>
      %broadcast_in_dim3A_504 = vector.shape_cast %select_n3A_503 : vector<16xi32> to vector<16x1xi32>
      %gather3A_505 = vector.shape_cast %broadcast_in_dim3A_504 : vector<16x1xi32> to vector<16xi32>
      %gather3A_506 = tpu.dynamic_gather %add3A_496[%gather3A_505] in [0] : vector<16xf32>, vector<16xi32> -> vector<16xf32>
      %add3A_507 = arith.addf %add3A_496, %gather3A_506 : vector<16xf32>
      %lt3A_508 = arith.constant 0 : i32
      %lt3A_509 = vector.broadcast %lt3A_508 : i32 to vector<16xi32>
      %lt3A_510 = arith.cmpi slt, %and3A_35, %lt3A_509 : vector<16xi32>
      %add3A_511 = arith.constant 16 : i32
      %add3A_512 = vector.broadcast %add3A_511 : i32 to vector<16xi32>
      %add3A_513 = arith.addi %and3A_35, %add3A_512 : vector<16xi32>
      %select_n3A_514 = arith.select %lt3A_510, %add3A_513, %and3A_35 : vector<16xi1>, vector<16xi32>
      %broadcast_in_dim3A_515 = vector.shape_cast %select_n3A_514 : vector<16xi32> to vector<16x1xi32>
      %gather3A_516 = vector.shape_cast %broadcast_in_dim3A_515 : vector<16x1xi32> to vector<16xi32>
      %gather3A_517 = tpu.dynamic_gather %add3A_507[%gather3A_516] in [0] : vector<16xf32>, vector<16xi32> -> vector<16xf32>
      %add3A_518 = arith.addf %add3A_507, %gather3A_517 : vector<16xf32>
      %eq3A_519 = arith.constant 6 : i32
      %eq3A_520 = vector.broadcast %eq3A_519 : i32 to vector<16xi32>
      %eq3A_521 = arith.cmpi eq, %iota3A, %eq3A_520 : vector<16xi32>
      %select_n3A_522 = arith.select %eq3A_521, %add3A_518, %select_n3A_453 : vector<16xi1>, vector<16xf32>
      %add3A_523 = arith.constant 7 : i32
      %add3A_524 = arith.addi %mul3A_43, %add3A_523 : i32
      %get3A_525 = arith.index_cast %add3A_524 : i32 to index
      %get3A_526 = arith.constant 0 : index
      %get3A_527 = tpu.vector_load %arg9[%get3A_525, %get3A_526] {strides = array<i32>} : memref<512x32xf32, #tpu.memory_space<vmem>>, vector<1x16xf32>,
      %get3A_528 = vector.shape_cast %get3A_527 : vector<1x16xf32> to vector<16xf32>
      %get3A_529 = arith.index_cast %add3A_524 : i32 to index
      %get3A_530 = arith.constant 16 : index
      %get3A_531 = tpu.vector_load %arg9[%get3A_529, %get3A_530] {strides = array<i32>} : memref<512x32xf32, #tpu.memory_space<vmem>>, vector<1x16xf32>,
      %get3A_532 = vector.shape_cast %get3A_531 : vector<1x16xf32> to vector<16xf32>
      %get3A_533 = arith.index_cast %add3A_524 : i32 to index
      %get3A_534 = arith.constant 0 : index
      %get3A_535 = tpu.vector_load %arg10[%get3A_533, %get3A_534] {strides = array<i32>} : memref<512x32xf32, #tpu.memory_space<vmem>>, vector<1x16xf32>,
      %get3A_536 = vector.shape_cast %get3A_535 : vector<1x16xf32> to vector<16xf32>
      %get3A_537 = arith.index_cast %add3A_524 : i32 to index
      %get3A_538 = arith.constant 16 : index
      %get3A_539 = tpu.vector_load %arg10[%get3A_537, %get3A_538] {strides = array<i32>} : memref<512x32xf32, #tpu.memory_space<vmem>>, vector<1x16xf32>,
      %get3A_540 = vector.shape_cast %get3A_539 : vector<1x16xf32> to vector<16xf32>
      %mul3A_541 = arith.mulf %get3A_528, %get3A_536 : vector<16xf32>
      %mul3A_542 = arith.mulf %get3A_532, %get3A_540 : vector<16xf32>
      %add3A_543 = arith.addf %mul3A_541, %mul3A_542 : vector<16xf32>
      %lt3A_544 = arith.constant 0 : i32
      %lt3A_545 = vector.broadcast %lt3A_544 : i32 to vector<16xi32>
      %lt3A_546 = arith.cmpi slt, %and3A_17, %lt3A_545 : vector<16xi32>
      %add3A_547 = arith.constant 16 : i32
      %add3A_548 = vector.broadcast %add3A_547 : i32 to vector<16xi32>
      %add3A_549 = arith.addi %and3A_17, %add3A_548 : vector<16xi32>
      %select_n3A_550 = arith.select %lt3A_546, %add3A_549, %and3A_17 : vector<16xi1>, vector<16xi32>
      %broadcast_in_dim3A_551 = vector.shape_cast %select_n3A_550 : vector<16xi32> to vector<16x1xi32>
      %gather3A_552 = vector.shape_cast %broadcast_in_dim3A_551 : vector<16x1xi32> to vector<16xi32>
      %gather3A_553 = tpu.dynamic_gather %add3A_543[%gather3A_552] in [0] : vector<16xf32>, vector<16xi32> -> vector<16xf32>
      %add3A_554 = arith.addf %add3A_543, %gather3A_553 : vector<16xf32>
      %lt3A_555 = arith.constant 0 : i32
      %lt3A_556 = vector.broadcast %lt3A_555 : i32 to vector<16xi32>
      %lt3A_557 = arith.cmpi slt, %and3A_23, %lt3A_556 : vector<16xi32>
      %add3A_558 = arith.constant 16 : i32
      %add3A_559 = vector.broadcast %add3A_558 : i32 to vector<16xi32>
      %add3A_560 = arith.addi %and3A_23, %add3A_559 : vector<16xi32>
      %select_n3A_561 = arith.select %lt3A_557, %add3A_560, %and3A_23 : vector<16xi1>, vector<16xi32>
      %broadcast_in_dim3A_562 = vector.shape_cast %select_n3A_561 : vector<16xi32> to vector<16x1xi32>
      %gather3A_563 = vector.shape_cast %broadcast_in_dim3A_562 : vector<16x1xi32> to vector<16xi32>
      %gather3A_564 = tpu.dynamic_gather %add3A_554[%gather3A_563] in [0] : vector<16xf32>, vector<16xi32> -> vector<16xf32>
      %add3A_565 = arith.addf %add3A_554, %gather3A_564 : vector<16xf32>
      %lt3A_566 = arith.constant 0 : i32
      %lt3A_567 = vector.broadcast %lt3A_566 : i32 to vector<16xi32>
      %lt3A_568 = arith.cmpi slt, %and3A_29, %lt3A_567 : vector<16xi32>
      %add3A_569 = arith.constant 16 : i32
      %add3A_570 = vector.broadcast %add3A_569 : i32 to vector<16xi32>
      %add3A_571 = arith.addi %and3A_29, %add3A_570 : vector<16xi32>
      %select_n3A_572 = arith.select %lt3A_568, %add3A_571, %and3A_29 : vector<16xi1>, vector<16xi32>
      %broadcast_in_dim3A_573 = vector.shape_cast %select_n3A_572 : vector<16xi32> to vector<16x1xi32>
      %gather3A_574 = vector.shape_cast %broadcast_in_dim3A_573 : vector<16x1xi32> to vector<16xi32>
      %gather3A_575 = tpu.dynamic_gather %add3A_565[%gather3A_574] in [0] : vector<16xf32>, vector<16xi32> -> vector<16xf32>
      %add3A_576 = arith.addf %add3A_565, %gather3A_575 : vector<16xf32>
      %lt3A_577 = arith.constant 0 : i32
      %lt3A_578 = vector.broadcast %lt3A_577 : i32 to vector<16xi32>
      %lt3A_579 = arith.cmpi slt, %and3A_35, %lt3A_578 : vector<16xi32>
      %add3A_580 = arith.constant 16 : i32
      %add3A_581 = vector.broadcast %add3A_580 : i32 to vector<16xi32>
      %add3A_582 = arith.addi %and3A_35, %add3A_581 : vector<16xi32>
      %select_n3A_583 = arith.select %lt3A_579, %add3A_582, %and3A_35 : vector<16xi1>, vector<16xi32>
      %broadcast_in_dim3A_584 = vector.shape_cast %select_n3A_583 : vector<16xi32> to vector<16x1xi32>
      %gather3A_585 = vector.shape_cast %broadcast_in_dim3A_584 : vector<16x1xi32> to vector<16xi32>
      %gather3A_586 = tpu.dynamic_gather %add3A_576[%gather3A_585] in [0] : vector<16xf32>, vector<16xi32> -> vector<16xf32>
      %add3A_587 = arith.addf %add3A_576, %gather3A_586 : vector<16xf32>
      %eq3A_588 = arith.constant 7 : i32
      %eq3A_589 = vector.broadcast %eq3A_588 : i32 to vector<16xi32>
      %eq3A_590 = arith.cmpi eq, %iota3A, %eq3A_589 : vector<16xi32>
      %select_n3A_591 = arith.select %eq3A_590, %add3A_587, %select_n3A_522 : vector<16xi1>, vector<16xf32>
      %add3A_592 = arith.constant 8 : i32
      %add3A_593 = arith.addi %mul3A_43, %add3A_592 : i32
      %get3A_594 = arith.index_cast %add3A_593 : i32 to index
      %get3A_595 = arith.constant 0 : index
      %get3A_596 = tpu.vector_load %arg9[%get3A_594, %get3A_595] {strides = array<i32>} : memref<512x32xf32, #tpu.memory_space<vmem>>, vector<1x16xf32>,
      %get3A_597 = vector.shape_cast %get3A_596 : vector<1x16xf32> to vector<16xf32>
      %get3A_598 = arith.index_cast %add3A_593 : i32 to index
      %get3A_599 = arith.constant 16 : index
      %get3A_600 = tpu.vector_load %arg9[%get3A_598, %get3A_599] {strides = array<i32>} : memref<512x32xf32, #tpu.memory_space<vmem>>, vector<1x16xf32>,
      %get3A_601 = vector.shape_cast %get3A_600 : vector<1x16xf32> to vector<16xf32>
      %get3A_602 = arith.index_cast %add3A_593 : i32 to index
      %get3A_603 = arith.constant 0 : index
      %get3A_604 = tpu.vector_load %arg10[%get3A_602, %get3A_603] {strides = array<i32>} : memref<512x32xf32, #tpu.memory_space<vmem>>, vector<1x16xf32>,
      %get3A_605 = vector.shape_cast %get3A_604 : vector<1x16xf32> to vector<16xf32>
      %get3A_606 = arith.index_cast %add3A_593 : i32 to index
      %get3A_607 = arith.constant 16 : index
      %get3A_608 = tpu.vector_load %arg10[%get3A_606, %get3A_607] {strides = array<i32>} : memref<512x32xf32, #tpu.memory_space<vmem>>, vector<1x16xf32>,
      %get3A_609 = vector.shape_cast %get3A_608 : vector<1x16xf32> to vector<16xf32>
      %mul3A_610 = arith.mulf %get3A_597, %get3A_605 : vector<16xf32>
      %mul3A_611 = arith.mulf %get3A_601, %get3A_609 : vector<16xf32>
      %add3A_612 = arith.addf %mul3A_610, %mul3A_611 : vector<16xf32>
      %lt3A_613 = arith.constant 0 : i32
      %lt3A_614 = vector.broadcast %lt3A_613 : i32 to vector<16xi32>
      %lt3A_615 = arith.cmpi slt, %and3A_17, %lt3A_614 : vector<16xi32>
      %add3A_616 = arith.constant 16 : i32
      %add3A_617 = vector.broadcast %add3A_616 : i32 to vector<16xi32>
      %add3A_618 = arith.addi %and3A_17, %add3A_617 : vector<16xi32>
      %select_n3A_619 = arith.select %lt3A_615, %add3A_618, %and3A_17 : vector<16xi1>, vector<16xi32>
      %broadcast_in_dim3A_620 = vector.shape_cast %select_n3A_619 : vector<16xi32> to vector<16x1xi32>
      %gather3A_621 = vector.shape_cast %broadcast_in_dim3A_620 : vector<16x1xi32> to vector<16xi32>
      %gather3A_622 = tpu.dynamic_gather %add3A_612[%gather3A_621] in [0] : vector<16xf32>, vector<16xi32> -> vector<16xf32>
      %add3A_623 = arith.addf %add3A_612, %gather3A_622 : vector<16xf32>
      %lt3A_624 = arith.constant 0 : i32
      %lt3A_625 = vector.broadcast %lt3A_624 : i32 to vector<16xi32>
      %lt3A_626 = arith.cmpi slt, %and3A_23, %lt3A_625 : vector<16xi32>
      %add3A_627 = arith.constant 16 : i32
      %add3A_628 = vector.broadcast %add3A_627 : i32 to vector<16xi32>
      %add3A_629 = arith.addi %and3A_23, %add3A_628 : vector<16xi32>
      %select_n3A_630 = arith.select %lt3A_626, %add3A_629, %and3A_23 : vector<16xi1>, vector<16xi32>
      %broadcast_in_dim3A_631 = vector.shape_cast %select_n3A_630 : vector<16xi32> to vector<16x1xi32>
      %gather3A_632 = vector.shape_cast %broadcast_in_dim3A_631 : vector<16x1xi32> to vector<16xi32>
      %gather3A_633 = tpu.dynamic_gather %add3A_623[%gather3A_632] in [0] : vector<16xf32>, vector<16xi32> -> vector<16xf32>
      %add3A_634 = arith.addf %add3A_623, %gather3A_633 : vector<16xf32>
      %lt3A_635 = arith.constant 0 : i32
      %lt3A_636 = vector.broadcast %lt3A_635 : i32 to vector<16xi32>
      %lt3A_637 = arith.cmpi slt, %and3A_29, %lt3A_636 : vector<16xi32>
      %add3A_638 = arith.constant 16 : i32
      %add3A_639 = vector.broadcast %add3A_638 : i32 to vector<16xi32>
      %add3A_640 = arith.addi %and3A_29, %add3A_639 : vector<16xi32>
      %select_n3A_641 = arith.select %lt3A_637, %add3A_640, %and3A_29 : vector<16xi1>, vector<16xi32>
      %broadcast_in_dim3A_642 = vector.shape_cast %select_n3A_641 : vector<16xi32> to vector<16x1xi32>
      %gather3A_643 = vector.shape_cast %broadcast_in_dim3A_642 : vector<16x1xi32> to vector<16xi32>
      %gather3A_644 = tpu.dynamic_gather %add3A_634[%gather3A_643] in [0] : vector<16xf32>, vector<16xi32> -> vector<16xf32>
      %add3A_645 = arith.addf %add3A_634, %gather3A_644 : vector<16xf32>
      %lt3A_646 = arith.constant 0 : i32
      %lt3A_647 = vector.broadcast %lt3A_646 : i32 to vector<16xi32>
      %lt3A_648 = arith.cmpi slt, %and3A_35, %lt3A_647 : vector<16xi32>
      %add3A_649 = arith.constant 16 : i32
      %add3A_650 = vector.broadcast %add3A_649 : i32 to vector<16xi32>
      %add3A_651 = arith.addi %and3A_35, %add3A_650 : vector<16xi32>
      %select_n3A_652 = arith.select %lt3A_648, %add3A_651, %and3A_35 : vector<16xi1>, vector<16xi32>
      %broadcast_in_dim3A_653 = vector.shape_cast %select_n3A_652 : vector<16xi32> to vector<16x1xi32>
      %gather3A_654 = vector.shape_cast %broadcast_in_dim3A_653 : vector<16x1xi32> to vector<16xi32>
      %gather3A_655 = tpu.dynamic_gather %add3A_645[%gather3A_654] in [0] : vector<16xf32>, vector<16xi32> -> vector<16xf32>
      %add3A_656 = arith.addf %add3A_645, %gather3A_655 : vector<16xf32>
      %eq3A_657 = arith.constant 8 : i32
      %eq3A_658 = vector.broadcast %eq3A_657 : i32 to vector<16xi32>
      %eq3A_659 = arith.cmpi eq, %iota3A, %eq3A_658 : vector<16xi32>
      %select_n3A_660 = arith.select %eq3A_659, %add3A_656, %select_n3A_591 : vector<16xi1>, vector<16xf32>
      %add3A_661 = arith.constant 9 : i32
      %add3A_662 = arith.addi %mul3A_43, %add3A_661 : i32
      %get3A_663 = arith.index_cast %add3A_662 : i32 to index
      %get3A_664 = arith.constant 0 : index
      %get3A_665 = tpu.vector_load %arg9[%get3A_663, %get3A_664] {strides = array<i32>} : memref<512x32xf32, #tpu.memory_space<vmem>>, vector<1x16xf32>,
      %get3A_666 = vector.shape_cast %get3A_665 : vector<1x16xf32> to vector<16xf32>
      %get3A_667 = arith.index_cast %add3A_662 : i32 to index
      %get3A_668 = arith.constant 16 : index
      %get3A_669 = tpu.vector_load %arg9[%get3A_667, %get3A_668] {strides = array<i32>} : memref<512x32xf32, #tpu.memory_space<vmem>>, vector<1x16xf32>,
      %get3A_670 = vector.shape_cast %get3A_669 : vector<1x16xf32> to vector<16xf32>
      %get3A_671 = arith.index_cast %add3A_662 : i32 to index
      %get3A_672 = arith.constant 0 : index
      %get3A_673 = tpu.vector_load %arg10[%get3A_671, %get3A_672] {strides = array<i32>} : memref<512x32xf32, #tpu.memory_space<vmem>>, vector<1x16xf32>,
      %get3A_674 = vector.shape_cast %get3A_673 : vector<1x16xf32> to vector<16xf32>
      %get3A_675 = arith.index_cast %add3A_662 : i32 to index
      %get3A_676 = arith.constant 16 : index
      %get3A_677 = tpu.vector_load %arg10[%get3A_675, %get3A_676] {strides = array<i32>} : memref<512x32xf32, #tpu.memory_space<vmem>>, vector<1x16xf32>,
      %get3A_678 = vector.shape_cast %get3A_677 : vector<1x16xf32> to vector<16xf32>
      %mul3A_679 = arith.mulf %get3A_666, %get3A_674 : vector<16xf32>
      %mul3A_680 = arith.mulf %get3A_670, %get3A_678 : vector<16xf32>
      %add3A_681 = arith.addf %mul3A_679, %mul3A_680 : vector<16xf32>
      %lt3A_682 = arith.constant 0 : i32
      %lt3A_683 = vector.broadcast %lt3A_682 : i32 to vector<16xi32>
      %lt3A_684 = arith.cmpi slt, %and3A_17, %lt3A_683 : vector<16xi32>
      %add3A_685 = arith.constant 16 : i32
      %add3A_686 = vector.broadcast %add3A_685 : i32 to vector<16xi32>
      %add3A_687 = arith.addi %and3A_17, %add3A_686 : vector<16xi32>
      %select_n3A_688 = arith.select %lt3A_684, %add3A_687, %and3A_17 : vector<16xi1>, vector<16xi32>
      %broadcast_in_dim3A_689 = vector.shape_cast %select_n3A_688 : vector<16xi32> to vector<16x1xi32>
      %gather3A_690 = vector.shape_cast %broadcast_in_dim3A_689 : vector<16x1xi32> to vector<16xi32>
      %gather3A_691 = tpu.dynamic_gather %add3A_681[%gather3A_690] in [0] : vector<16xf32>, vector<16xi32> -> vector<16xf32>
      %add3A_692 = arith.addf %add3A_681, %gather3A_691 : vector<16xf32>
      %lt3A_693 = arith.constant 0 : i32
      %lt3A_694 = vector.broadcast %lt3A_693 : i32 to vector<16xi32>
      %lt3A_695 = arith.cmpi slt, %and3A_23, %lt3A_694 : vector<16xi32>
      %add3A_696 = arith.constant 16 : i32
      %add3A_697 = vector.broadcast %add3A_696 : i32 to vector<16xi32>
      %add3A_698 = arith.addi %and3A_23, %add3A_697 : vector<16xi32>
      %select_n3A_699 = arith.select %lt3A_695, %add3A_698, %and3A_23 : vector<16xi1>, vector<16xi32>
      %broadcast_in_dim3A_700 = vector.shape_cast %select_n3A_699 : vector<16xi32> to vector<16x1xi32>
      %gather3A_701 = vector.shape_cast %broadcast_in_dim3A_700 : vector<16x1xi32> to vector<16xi32>
      %gather3A_702 = tpu.dynamic_gather %add3A_692[%gather3A_701] in [0] : vector<16xf32>, vector<16xi32> -> vector<16xf32>
      %add3A_703 = arith.addf %add3A_692, %gather3A_702 : vector<16xf32>
      %lt3A_704 = arith.constant 0 : i32
      %lt3A_705 = vector.broadcast %lt3A_704 : i32 to vector<16xi32>
      %lt3A_706 = arith.cmpi slt, %and3A_29, %lt3A_705 : vector<16xi32>
      %add3A_707 = arith.constant 16 : i32
      %add3A_708 = vector.broadcast %add3A_707 : i32 to vector<16xi32>
      %add3A_709 = arith.addi %and3A_29, %add3A_708 : vector<16xi32>
      %select_n3A_710 = arith.select %lt3A_706, %add3A_709, %and3A_29 : vector<16xi1>, vector<16xi32>
      %broadcast_in_dim3A_711 = vector.shape_cast %select_n3A_710 : vector<16xi32> to vector<16x1xi32>
      %gather3A_712 = vector.shape_cast %broadcast_in_dim3A_711 : vector<16x1xi32> to vector<16xi32>
      %gather3A_713 = tpu.dynamic_gather %add3A_703[%gather3A_712] in [0] : vector<16xf32>, vector<16xi32> -> vector<16xf32>
      %add3A_714 = arith.addf %add3A_703, %gather3A_713 : vector<16xf32>
      %lt3A_715 = arith.constant 0 : i32
      %lt3A_716 = vector.broadcast %lt3A_715 : i32 to vector<16xi32>
      %lt3A_717 = arith.cmpi slt, %and3A_35, %lt3A_716 : vector<16xi32>
      %add3A_718 = arith.constant 16 : i32
      %add3A_719 = vector.broadcast %add3A_718 : i32 to vector<16xi32>
      %add3A_720 = arith.addi %and3A_35, %add3A_719 : vector<16xi32>
      %select_n3A_721 = arith.select %lt3A_717, %add3A_720, %and3A_35 : vector<16xi1>, vector<16xi32>
      %broadcast_in_dim3A_722 = vector.shape_cast %select_n3A_721 : vector<16xi32> to vector<16x1xi32>
      %gather3A_723 = vector.shape_cast %broadcast_in_dim3A_722 : vector<16x1xi32> to vector<16xi32>
      %gather3A_724 = tpu.dynamic_gather %add3A_714[%gather3A_723] in [0] : vector<16xf32>, vector<16xi32> -> vector<16xf32>
      %add3A_725 = arith.addf %add3A_714, %gather3A_724 : vector<16xf32>
      %eq3A_726 = arith.constant 9 : i32
      %eq3A_727 = vector.broadcast %eq3A_726 : i32 to vector<16xi32>
      %eq3A_728 = arith.cmpi eq, %iota3A, %eq3A_727 : vector<16xi32>
      %select_n3A_729 = arith.select %eq3A_728, %add3A_725, %select_n3A_660 : vector<16xi1>, vector<16xf32>
      %add3A_730 = arith.constant 10 : i32
      %add3A_731 = arith.addi %mul3A_43, %add3A_730 : i32
      %get3A_732 = arith.index_cast %add3A_731 : i32 to index
      %get3A_733 = arith.constant 0 : index
      %get3A_734 = tpu.vector_load %arg9[%get3A_732, %get3A_733] {strides = array<i32>} : memref<512x32xf32, #tpu.memory_space<vmem>>, vector<1x16xf32>,
      %get3A_735 = vector.shape_cast %get3A_734 : vector<1x16xf32> to vector<16xf32>
      %get3A_736 = arith.index_cast %add3A_731 : i32 to index
      %get3A_737 = arith.constant 16 : index
      %get3A_738 = tpu.vector_load %arg9[%get3A_736, %get3A_737] {strides = array<i32>} : memref<512x32xf32, #tpu.memory_space<vmem>>, vector<1x16xf32>,
      %get3A_739 = vector.shape_cast %get3A_738 : vector<1x16xf32> to vector<16xf32>
      %get3A_740 = arith.index_cast %add3A_731 : i32 to index
      %get3A_741 = arith.constant 0 : index
      %get3A_742 = tpu.vector_load %arg10[%get3A_740, %get3A_741] {strides = array<i32>} : memref<512x32xf32, #tpu.memory_space<vmem>>, vector<1x16xf32>,
      %get3A_743 = vector.shape_cast %get3A_742 : vector<1x16xf32> to vector<16xf32>
      %get3A_744 = arith.index_cast %add3A_731 : i32 to index
      %get3A_745 = arith.constant 16 : index
      %get3A_746 = tpu.vector_load %arg10[%get3A_744, %get3A_745] {strides = array<i32>} : memref<512x32xf32, #tpu.memory_space<vmem>>, vector<1x16xf32>,
      %get3A_747 = vector.shape_cast %get3A_746 : vector<1x16xf32> to vector<16xf32>
      %mul3A_748 = arith.mulf %get3A_735, %get3A_743 : vector<16xf32>
      %mul3A_749 = arith.mulf %get3A_739, %get3A_747 : vector<16xf32>
      %add3A_750 = arith.addf %mul3A_748, %mul3A_749 : vector<16xf32>
      %lt3A_751 = arith.constant 0 : i32
      %lt3A_752 = vector.broadcast %lt3A_751 : i32 to vector<16xi32>
      %lt3A_753 = arith.cmpi slt, %and3A_17, %lt3A_752 : vector<16xi32>
      %add3A_754 = arith.constant 16 : i32
      %add3A_755 = vector.broadcast %add3A_754 : i32 to vector<16xi32>
      %add3A_756 = arith.addi %and3A_17, %add3A_755 : vector<16xi32>
      %select_n3A_757 = arith.select %lt3A_753, %add3A_756, %and3A_17 : vector<16xi1>, vector<16xi32>
      %broadcast_in_dim3A_758 = vector.shape_cast %select_n3A_757 : vector<16xi32> to vector<16x1xi32>
      %gather3A_759 = vector.shape_cast %broadcast_in_dim3A_758 : vector<16x1xi32> to vector<16xi32>
      %gather3A_760 = tpu.dynamic_gather %add3A_750[%gather3A_759] in [0] : vector<16xf32>, vector<16xi32> -> vector<16xf32>
      %add3A_761 = arith.addf %add3A_750, %gather3A_760 : vector<16xf32>
      %lt3A_762 = arith.constant 0 : i32
      %lt3A_763 = vector.broadcast %lt3A_762 : i32 to vector<16xi32>
      %lt3A_764 = arith.cmpi slt, %and3A_23, %lt3A_763 : vector<16xi32>
      %add3A_765 = arith.constant 16 : i32
      %add3A_766 = vector.broadcast %add3A_765 : i32 to vector<16xi32>
      %add3A_767 = arith.addi %and3A_23, %add3A_766 : vector<16xi32>
      %select_n3A_768 = arith.select %lt3A_764, %add3A_767, %and3A_23 : vector<16xi1>, vector<16xi32>
      %broadcast_in_dim3A_769 = vector.shape_cast %select_n3A_768 : vector<16xi32> to vector<16x1xi32>
      %gather3A_770 = vector.shape_cast %broadcast_in_dim3A_769 : vector<16x1xi32> to vector<16xi32>
      %gather3A_771 = tpu.dynamic_gather %add3A_761[%gather3A_770] in [0] : vector<16xf32>, vector<16xi32> -> vector<16xf32>
      %add3A_772 = arith.addf %add3A_761, %gather3A_771 : vector<16xf32>
      %lt3A_773 = arith.constant 0 : i32
      %lt3A_774 = vector.broadcast %lt3A_773 : i32 to vector<16xi32>
      %lt3A_775 = arith.cmpi slt, %and3A_29, %lt3A_774 : vector<16xi32>
      %add3A_776 = arith.constant 16 : i32
      %add3A_777 = vector.broadcast %add3A_776 : i32 to vector<16xi32>
      %add3A_778 = arith.addi %and3A_29, %add3A_777 : vector<16xi32>
      %select_n3A_779 = arith.select %lt3A_775, %add3A_778, %and3A_29 : vector<16xi1>, vector<16xi32>
      %broadcast_in_dim3A_780 = vector.shape_cast %select_n3A_779 : vector<16xi32> to vector<16x1xi32>
      %gather3A_781 = vector.shape_cast %broadcast_in_dim3A_780 : vector<16x1xi32> to vector<16xi32>
      %gather3A_782 = tpu.dynamic_gather %add3A_772[%gather3A_781] in [0] : vector<16xf32>, vector<16xi32> -> vector<16xf32>
      %add3A_783 = arith.addf %add3A_772, %gather3A_782 : vector<16xf32>
      %lt3A_784 = arith.constant 0 : i32
      %lt3A_785 = vector.broadcast %lt3A_784 : i32 to vector<16xi32>
      %lt3A_786 = arith.cmpi slt, %and3A_35, %lt3A_785 : vector<16xi32>
      %add3A_787 = arith.constant 16 : i32
      %add3A_788 = vector.broadcast %add3A_787 : i32 to vector<16xi32>
      %add3A_789 = arith.addi %and3A_35, %add3A_788 : vector<16xi32>
      %select_n3A_790 = arith.select %lt3A_786, %add3A_789, %and3A_35 : vector<16xi1>, vector<16xi32>
      %broadcast_in_dim3A_791 = vector.shape_cast %select_n3A_790 : vector<16xi32> to vector<16x1xi32>
      %gather3A_792 = vector.shape_cast %broadcast_in_dim3A_791 : vector<16x1xi32> to vector<16xi32>
      %gather3A_793 = tpu.dynamic_gather %add3A_783[%gather3A_792] in [0] : vector<16xf32>, vector<16xi32> -> vector<16xf32>
      %add3A_794 = arith.addf %add3A_783, %gather3A_793 : vector<16xf32>
      %eq3A_795 = arith.constant 10 : i32
      %eq3A_796 = vector.broadcast %eq3A_795 : i32 to vector<16xi32>
      %eq3A_797 = arith.cmpi eq, %iota3A, %eq3A_796 : vector<16xi32>
      %select_n3A_798 = arith.select %eq3A_797, %add3A_794, %select_n3A_729 : vector<16xi1>, vector<16xf32>
      %add3A_799 = arith.constant 11 : i32
      %add3A_800 = arith.addi %mul3A_43, %add3A_799 : i32
      %get3A_801 = arith.index_cast %add3A_800 : i32 to index
      %get3A_802 = arith.constant 0 : index
      %get3A_803 = tpu.vector_load %arg9[%get3A_801, %get3A_802] {strides = array<i32>} : memref<512x32xf32, #tpu.memory_space<vmem>>, vector<1x16xf32>,
      %get3A_804 = vector.shape_cast %get3A_803 : vector<1x16xf32> to vector<16xf32>
      %get3A_805 = arith.index_cast %add3A_800 : i32 to index
      %get3A_806 = arith.constant 16 : index
      %get3A_807 = tpu.vector_load %arg9[%get3A_805, %get3A_806] {strides = array<i32>} : memref<512x32xf32, #tpu.memory_space<vmem>>, vector<1x16xf32>,
      %get3A_808 = vector.shape_cast %get3A_807 : vector<1x16xf32> to vector<16xf32>
      %get3A_809 = arith.index_cast %add3A_800 : i32 to index
      %get3A_810 = arith.constant 0 : index
      %get3A_811 = tpu.vector_load %arg10[%get3A_809, %get3A_810] {strides = array<i32>} : memref<512x32xf32, #tpu.memory_space<vmem>>, vector<1x16xf32>,
      %get3A_812 = vector.shape_cast %get3A_811 : vector<1x16xf32> to vector<16xf32>
      %get3A_813 = arith.index_cast %add3A_800 : i32 to index
      %get3A_814 = arith.constant 16 : index
      %get3A_815 = tpu.vector_load %arg10[%get3A_813, %get3A_814] {strides = array<i32>} : memref<512x32xf32, #tpu.memory_space<vmem>>, vector<1x16xf32>,
      %get3A_816 = vector.shape_cast %get3A_815 : vector<1x16xf32> to vector<16xf32>
      %mul3A_817 = arith.mulf %get3A_804, %get3A_812 : vector<16xf32>
      %mul3A_818 = arith.mulf %get3A_808, %get3A_816 : vector<16xf32>
      %add3A_819 = arith.addf %mul3A_817, %mul3A_818 : vector<16xf32>
      %lt3A_820 = arith.constant 0 : i32
      %lt3A_821 = vector.broadcast %lt3A_820 : i32 to vector<16xi32>
      %lt3A_822 = arith.cmpi slt, %and3A_17, %lt3A_821 : vector<16xi32>
      %add3A_823 = arith.constant 16 : i32
      %add3A_824 = vector.broadcast %add3A_823 : i32 to vector<16xi32>
      %add3A_825 = arith.addi %and3A_17, %add3A_824 : vector<16xi32>
      %select_n3A_826 = arith.select %lt3A_822, %add3A_825, %and3A_17 : vector<16xi1>, vector<16xi32>
      %broadcast_in_dim3A_827 = vector.shape_cast %select_n3A_826 : vector<16xi32> to vector<16x1xi32>
      %gather3A_828 = vector.shape_cast %broadcast_in_dim3A_827 : vector<16x1xi32> to vector<16xi32>
      %gather3A_829 = tpu.dynamic_gather %add3A_819[%gather3A_828] in [0] : vector<16xf32>, vector<16xi32> -> vector<16xf32>
      %add3A_830 = arith.addf %add3A_819, %gather3A_829 : vector<16xf32>
      %lt3A_831 = arith.constant 0 : i32
      %lt3A_832 = vector.broadcast %lt3A_831 : i32 to vector<16xi32>
      %lt3A_833 = arith.cmpi slt, %and3A_23, %lt3A_832 : vector<16xi32>
      %add3A_834 = arith.constant 16 : i32
      %add3A_835 = vector.broadcast %add3A_834 : i32 to vector<16xi32>
      %add3A_836 = arith.addi %and3A_23, %add3A_835 : vector<16xi32>
      %select_n3A_837 = arith.select %lt3A_833, %add3A_836, %and3A_23 : vector<16xi1>, vector<16xi32>
      %broadcast_in_dim3A_838 = vector.shape_cast %select_n3A_837 : vector<16xi32> to vector<16x1xi32>
      %gather3A_839 = vector.shape_cast %broadcast_in_dim3A_838 : vector<16x1xi32> to vector<16xi32>
      %gather3A_840 = tpu.dynamic_gather %add3A_830[%gather3A_839] in [0] : vector<16xf32>, vector<16xi32> -> vector<16xf32>
      %add3A_841 = arith.addf %add3A_830, %gather3A_840 : vector<16xf32>
      %lt3A_842 = arith.constant 0 : i32
      %lt3A_843 = vector.broadcast %lt3A_842 : i32 to vector<16xi32>
      %lt3A_844 = arith.cmpi slt, %and3A_29, %lt3A_843 : vector<16xi32>
      %add3A_845 = arith.constant 16 : i32
      %add3A_846 = vector.broadcast %add3A_845 : i32 to vector<16xi32>
      %add3A_847 = arith.addi %and3A_29, %add3A_846 : vector<16xi32>
      %select_n3A_848 = arith.select %lt3A_844, %add3A_847, %and3A_29 : vector<16xi1>, vector<16xi32>
      %broadcast_in_dim3A_849 = vector.shape_cast %select_n3A_848 : vector<16xi32> to vector<16x1xi32>
      %gather3A_850 = vector.shape_cast %broadcast_in_dim3A_849 : vector<16x1xi32> to vector<16xi32>
      %gather3A_851 = tpu.dynamic_gather %add3A_841[%gather3A_850] in [0] : vector<16xf32>, vector<16xi32> -> vector<16xf32>
      %add3A_852 = arith.addf %add3A_841, %gather3A_851 : vector<16xf32>
      %lt3A_853 = arith.constant 0 : i32
      %lt3A_854 = vector.broadcast %lt3A_853 : i32 to vector<16xi32>
      %lt3A_855 = arith.cmpi slt, %and3A_35, %lt3A_854 : vector<16xi32>
      %add3A_856 = arith.constant 16 : i32
      %add3A_857 = vector.broadcast %add3A_856 : i32 to vector<16xi32>
      %add3A_858 = arith.addi %and3A_35, %add3A_857 : vector<16xi32>
      %select_n3A_859 = arith.select %lt3A_855, %add3A_858, %and3A_35 : vector<16xi1>, vector<16xi32>
      %broadcast_in_dim3A_860 = vector.shape_cast %select_n3A_859 : vector<16xi32> to vector<16x1xi32>
      %gather3A_861 = vector.shape_cast %broadcast_in_dim3A_860 : vector<16x1xi32> to vector<16xi32>
      %gather3A_862 = tpu.dynamic_gather %add3A_852[%gather3A_861] in [0] : vector<16xf32>, vector<16xi32> -> vector<16xf32>
      %add3A_863 = arith.addf %add3A_852, %gather3A_862 : vector<16xf32>
      %eq3A_864 = arith.constant 11 : i32
      %eq3A_865 = vector.broadcast %eq3A_864 : i32 to vector<16xi32>
      %eq3A_866 = arith.cmpi eq, %iota3A, %eq3A_865 : vector<16xi32>
      %select_n3A_867 = arith.select %eq3A_866, %add3A_863, %select_n3A_798 : vector<16xi1>, vector<16xf32>
      %add3A_868 = arith.constant 12 : i32
      %add3A_869 = arith.addi %mul3A_43, %add3A_868 : i32
      %get3A_870 = arith.index_cast %add3A_869 : i32 to index
      %get3A_871 = arith.constant 0 : index
      %get3A_872 = tpu.vector_load %arg9[%get3A_870, %get3A_871] {strides = array<i32>} : memref<512x32xf32, #tpu.memory_space<vmem>>, vector<1x16xf32>,
      %get3A_873 = vector.shape_cast %get3A_872 : vector<1x16xf32> to vector<16xf32>
      %get3A_874 = arith.index_cast %add3A_869 : i32 to index
      %get3A_875 = arith.constant 16 : index
      %get3A_876 = tpu.vector_load %arg9[%get3A_874, %get3A_875] {strides = array<i32>} : memref<512x32xf32, #tpu.memory_space<vmem>>, vector<1x16xf32>,
      %get3A_877 = vector.shape_cast %get3A_876 : vector<1x16xf32> to vector<16xf32>
      %get3A_878 = arith.index_cast %add3A_869 : i32 to index
      %get3A_879 = arith.constant 0 : index
      %get3A_880 = tpu.vector_load %arg10[%get3A_878, %get3A_879] {strides = array<i32>} : memref<512x32xf32, #tpu.memory_space<vmem>>, vector<1x16xf32>,
      %get3A_881 = vector.shape_cast %get3A_880 : vector<1x16xf32> to vector<16xf32>
      %get3A_882 = arith.index_cast %add3A_869 : i32 to index
      %get3A_883 = arith.constant 16 : index
      %get3A_884 = tpu.vector_load %arg10[%get3A_882, %get3A_883] {strides = array<i32>} : memref<512x32xf32, #tpu.memory_space<vmem>>, vector<1x16xf32>,
      %get3A_885 = vector.shape_cast %get3A_884 : vector<1x16xf32> to vector<16xf32>
      %mul3A_886 = arith.mulf %get3A_873, %get3A_881 : vector<16xf32>
      %mul3A_887 = arith.mulf %get3A_877, %get3A_885 : vector<16xf32>
      %add3A_888 = arith.addf %mul3A_886, %mul3A_887 : vector<16xf32>
      %lt3A_889 = arith.constant 0 : i32
      %lt3A_890 = vector.broadcast %lt3A_889 : i32 to vector<16xi32>
      %lt3A_891 = arith.cmpi slt, %and3A_17, %lt3A_890 : vector<16xi32>
      %add3A_892 = arith.constant 16 : i32
      %add3A_893 = vector.broadcast %add3A_892 : i32 to vector<16xi32>
      %add3A_894 = arith.addi %and3A_17, %add3A_893 : vector<16xi32>
      %select_n3A_895 = arith.select %lt3A_891, %add3A_894, %and3A_17 : vector<16xi1>, vector<16xi32>
      %broadcast_in_dim3A_896 = vector.shape_cast %select_n3A_895 : vector<16xi32> to vector<16x1xi32>
      %gather3A_897 = vector.shape_cast %broadcast_in_dim3A_896 : vector<16x1xi32> to vector<16xi32>
      %gather3A_898 = tpu.dynamic_gather %add3A_888[%gather3A_897] in [0] : vector<16xf32>, vector<16xi32> -> vector<16xf32>
      %add3A_899 = arith.addf %add3A_888, %gather3A_898 : vector<16xf32>
      %lt3A_900 = arith.constant 0 : i32
      %lt3A_901 = vector.broadcast %lt3A_900 : i32 to vector<16xi32>
      %lt3A_902 = arith.cmpi slt, %and3A_23, %lt3A_901 : vector<16xi32>
      %add3A_903 = arith.constant 16 : i32
      %add3A_904 = vector.broadcast %add3A_903 : i32 to vector<16xi32>
      %add3A_905 = arith.addi %and3A_23, %add3A_904 : vector<16xi32>
      %select_n3A_906 = arith.select %lt3A_902, %add3A_905, %and3A_23 : vector<16xi1>, vector<16xi32>
      %broadcast_in_dim3A_907 = vector.shape_cast %select_n3A_906 : vector<16xi32> to vector<16x1xi32>
      %gather3A_908 = vector.shape_cast %broadcast_in_dim3A_907 : vector<16x1xi32> to vector<16xi32>
      %gather3A_909 = tpu.dynamic_gather %add3A_899[%gather3A_908] in [0] : vector<16xf32>, vector<16xi32> -> vector<16xf32>
      %add3A_910 = arith.addf %add3A_899, %gather3A_909 : vector<16xf32>
      %lt3A_911 = arith.constant 0 : i32
      %lt3A_912 = vector.broadcast %lt3A_911 : i32 to vector<16xi32>
      %lt3A_913 = arith.cmpi slt, %and3A_29, %lt3A_912 : vector<16xi32>
      %add3A_914 = arith.constant 16 : i32
      %add3A_915 = vector.broadcast %add3A_914 : i32 to vector<16xi32>
      %add3A_916 = arith.addi %and3A_29, %add3A_915 : vector<16xi32>
      %select_n3A_917 = arith.select %lt3A_913, %add3A_916, %and3A_29 : vector<16xi1>, vector<16xi32>
      %broadcast_in_dim3A_918 = vector.shape_cast %select_n3A_917 : vector<16xi32> to vector<16x1xi32>
      %gather3A_919 = vector.shape_cast %broadcast_in_dim3A_918 : vector<16x1xi32> to vector<16xi32>
      %gather3A_920 = tpu.dynamic_gather %add3A_910[%gather3A_919] in [0] : vector<16xf32>, vector<16xi32> -> vector<16xf32>
      %add3A_921 = arith.addf %add3A_910, %gather3A_920 : vector<16xf32>
      %lt3A_922 = arith.constant 0 : i32
      %lt3A_923 = vector.broadcast %lt3A_922 : i32 to vector<16xi32>
      %lt3A_924 = arith.cmpi slt, %and3A_35, %lt3A_923 : vector<16xi32>
      %add3A_925 = arith.constant 16 : i32
      %add3A_926 = vector.broadcast %add3A_925 : i32 to vector<16xi32>
      %add3A_927 = arith.addi %and3A_35, %add3A_926 : vector<16xi32>
      %select_n3A_928 = arith.select %lt3A_924, %add3A_927, %and3A_35 : vector<16xi1>, vector<16xi32>
      %broadcast_in_dim3A_929 = vector.shape_cast %select_n3A_928 : vector<16xi32> to vector<16x1xi32>
      %gather3A_930 = vector.shape_cast %broadcast_in_dim3A_929 : vector<16x1xi32> to vector<16xi32>
      %gather3A_931 = tpu.dynamic_gather %add3A_921[%gather3A_930] in [0] : vector<16xf32>, vector<16xi32> -> vector<16xf32>
      %add3A_932 = arith.addf %add3A_921, %gather3A_931 : vector<16xf32>
      %eq3A_933 = arith.constant 12 : i32
      %eq3A_934 = vector.broadcast %eq3A_933 : i32 to vector<16xi32>
      %eq3A_935 = arith.cmpi eq, %iota3A, %eq3A_934 : vector<16xi32>
      %select_n3A_936 = arith.select %eq3A_935, %add3A_932, %select_n3A_867 : vector<16xi1>, vector<16xf32>
      %add3A_937 = arith.constant 13 : i32
      %add3A_938 = arith.addi %mul3A_43, %add3A_937 : i32
      %get3A_939 = arith.index_cast %add3A_938 : i32 to index
      %get3A_940 = arith.constant 0 : index
      %get3A_941 = tpu.vector_load %arg9[%get3A_939, %get3A_940] {strides = array<i32>} : memref<512x32xf32, #tpu.memory_space<vmem>>, vector<1x16xf32>,
      %get3A_942 = vector.shape_cast %get3A_941 : vector<1x16xf32> to vector<16xf32>
      %get3A_943 = arith.index_cast %add3A_938 : i32 to index
      %get3A_944 = arith.constant 16 : index
      %get3A_945 = tpu.vector_load %arg9[%get3A_943, %get3A_944] {strides = array<i32>} : memref<512x32xf32, #tpu.memory_space<vmem>>, vector<1x16xf32>,
      %get3A_946 = vector.shape_cast %get3A_945 : vector<1x16xf32> to vector<16xf32>
      %get3A_947 = arith.index_cast %add3A_938 : i32 to index
      %get3A_948 = arith.constant 0 : index
      %get3A_949 = tpu.vector_load %arg10[%get3A_947, %get3A_948] {strides = array<i32>} : memref<512x32xf32, #tpu.memory_space<vmem>>, vector<1x16xf32>,
      %get3A_950 = vector.shape_cast %get3A_949 : vector<1x16xf32> to vector<16xf32>
      %get3A_951 = arith.index_cast %add3A_938 : i32 to index
      %get3A_952 = arith.constant 16 : index
      %get3A_953 = tpu.vector_load %arg10[%get3A_951, %get3A_952] {strides = array<i32>} : memref<512x32xf32, #tpu.memory_space<vmem>>, vector<1x16xf32>,
      %get3A_954 = vector.shape_cast %get3A_953 : vector<1x16xf32> to vector<16xf32>
      %mul3A_955 = arith.mulf %get3A_942, %get3A_950 : vector<16xf32>
      %mul3A_956 = arith.mulf %get3A_946, %get3A_954 : vector<16xf32>
      %add3A_957 = arith.addf %mul3A_955, %mul3A_956 : vector<16xf32>
      %lt3A_958 = arith.constant 0 : i32
      %lt3A_959 = vector.broadcast %lt3A_958 : i32 to vector<16xi32>
      %lt3A_960 = arith.cmpi slt, %and3A_17, %lt3A_959 : vector<16xi32>
      %add3A_961 = arith.constant 16 : i32
      %add3A_962 = vector.broadcast %add3A_961 : i32 to vector<16xi32>
      %add3A_963 = arith.addi %and3A_17, %add3A_962 : vector<16xi32>
      %select_n3A_964 = arith.select %lt3A_960, %add3A_963, %and3A_17 : vector<16xi1>, vector<16xi32>
      %broadcast_in_dim3A_965 = vector.shape_cast %select_n3A_964 : vector<16xi32> to vector<16x1xi32>
      %gather3A_966 = vector.shape_cast %broadcast_in_dim3A_965 : vector<16x1xi32> to vector<16xi32>
      %gather3A_967 = tpu.dynamic_gather %add3A_957[%gather3A_966] in [0] : vector<16xf32>, vector<16xi32> -> vector<16xf32>
      %add3A_968 = arith.addf %add3A_957, %gather3A_967 : vector<16xf32>
      %lt3A_969 = arith.constant 0 : i32
      %lt3A_970 = vector.broadcast %lt3A_969 : i32 to vector<16xi32>
      %lt3A_971 = arith.cmpi slt, %and3A_23, %lt3A_970 : vector<16xi32>
      %add3A_972 = arith.constant 16 : i32
      %add3A_973 = vector.broadcast %add3A_972 : i32 to vector<16xi32>
      %add3A_974 = arith.addi %and3A_23, %add3A_973 : vector<16xi32>
      %select_n3A_975 = arith.select %lt3A_971, %add3A_974, %and3A_23 : vector<16xi1>, vector<16xi32>
      %broadcast_in_dim3A_976 = vector.shape_cast %select_n3A_975 : vector<16xi32> to vector<16x1xi32>
      %gather3A_977 = vector.shape_cast %broadcast_in_dim3A_976 : vector<16x1xi32> to vector<16xi32>
      %gather3A_978 = tpu.dynamic_gather %add3A_968[%gather3A_977] in [0] : vector<16xf32>, vector<16xi32> -> vector<16xf32>
      %add3A_979 = arith.addf %add3A_968, %gather3A_978 : vector<16xf32>
      %lt3A_980 = arith.constant 0 : i32
      %lt3A_981 = vector.broadcast %lt3A_980 : i32 to vector<16xi32>
      %lt3A_982 = arith.cmpi slt, %and3A_29, %lt3A_981 : vector<16xi32>
      %add3A_983 = arith.constant 16 : i32
      %add3A_984 = vector.broadcast %add3A_983 : i32 to vector<16xi32>
      %add3A_985 = arith.addi %and3A_29, %add3A_984 : vector<16xi32>
      %select_n3A_986 = arith.select %lt3A_982, %add3A_985, %and3A_29 : vector<16xi1>, vector<16xi32>
      %broadcast_in_dim3A_987 = vector.shape_cast %select_n3A_986 : vector<16xi32> to vector<16x1xi32>
      %gather3A_988 = vector.shape_cast %broadcast_in_dim3A_987 : vector<16x1xi32> to vector<16xi32>
      %gather3A_989 = tpu.dynamic_gather %add3A_979[%gather3A_988] in [0] : vector<16xf32>, vector<16xi32> -> vector<16xf32>
      %add3A_990 = arith.addf %add3A_979, %gather3A_989 : vector<16xf32>
      %lt3A_991 = arith.constant 0 : i32
      %lt3A_992 = vector.broadcast %lt3A_991 : i32 to vector<16xi32>
      %lt3A_993 = arith.cmpi slt, %and3A_35, %lt3A_992 : vector<16xi32>
      %add3A_994 = arith.constant 16 : i32
      %add3A_995 = vector.broadcast %add3A_994 : i32 to vector<16xi32>
      %add3A_996 = arith.addi %and3A_35, %add3A_995 : vector<16xi32>
      %select_n3A_997 = arith.select %lt3A_993, %add3A_996, %and3A_35 : vector<16xi1>, vector<16xi32>
      %broadcast_in_dim3A_998 = vector.shape_cast %select_n3A_997 : vector<16xi32> to vector<16x1xi32>
      %gather3A_999 = vector.shape_cast %broadcast_in_dim3A_998 : vector<16x1xi32> to vector<16xi32>
      %gather3A_1000 = tpu.dynamic_gather %add3A_990[%gather3A_999] in [0] : vector<16xf32>, vector<16xi32> -> vector<16xf32>
      %add3A_1001 = arith.addf %add3A_990, %gather3A_1000 : vector<16xf32>
      %eq3A_1002 = arith.constant 13 : i32
      %eq3A_1003 = vector.broadcast %eq3A_1002 : i32 to vector<16xi32>
      %eq3A_1004 = arith.cmpi eq, %iota3A, %eq3A_1003 : vector<16xi32>
      %select_n3A_1005 = arith.select %eq3A_1004, %add3A_1001, %select_n3A_936 : vector<16xi1>, vector<16xf32>
      %add3A_1006 = arith.constant 14 : i32
      %add3A_1007 = arith.addi %mul3A_43, %add3A_1006 : i32
      %get3A_1008 = arith.index_cast %add3A_1007 : i32 to index
      %get3A_1009 = arith.constant 0 : index
      %get3A_1010 = tpu.vector_load %arg9[%get3A_1008, %get3A_1009] {strides = array<i32>} : memref<512x32xf32, #tpu.memory_space<vmem>>, vector<1x16xf32>,
      %get3A_1011 = vector.shape_cast %get3A_1010 : vector<1x16xf32> to vector<16xf32>
      %get3A_1012 = arith.index_cast %add3A_1007 : i32 to index
      %get3A_1013 = arith.constant 16 : index
      %get3A_1014 = tpu.vector_load %arg9[%get3A_1012, %get3A_1013] {strides = array<i32>} : memref<512x32xf32, #tpu.memory_space<vmem>>, vector<1x16xf32>,
      %get3A_1015 = vector.shape_cast %get3A_1014 : vector<1x16xf32> to vector<16xf32>
      %get3A_1016 = arith.index_cast %add3A_1007 : i32 to index
      %get3A_1017 = arith.constant 0 : index
      %get3A_1018 = tpu.vector_load %arg10[%get3A_1016, %get3A_1017] {strides = array<i32>} : memref<512x32xf32, #tpu.memory_space<vmem>>, vector<1x16xf32>,
      %get3A_1019 = vector.shape_cast %get3A_1018 : vector<1x16xf32> to vector<16xf32>
      %get3A_1020 = arith.index_cast %add3A_1007 : i32 to index
      %get3A_1021 = arith.constant 16 : index
      %get3A_1022 = tpu.vector_load %arg10[%get3A_1020, %get3A_1021] {strides = array<i32>} : memref<512x32xf32, #tpu.memory_space<vmem>>, vector<1x16xf32>,
      %get3A_1023 = vector.shape_cast %get3A_1022 : vector<1x16xf32> to vector<16xf32>
      %mul3A_1024 = arith.mulf %get3A_1011, %get3A_1019 : vector<16xf32>
      %mul3A_1025 = arith.mulf %get3A_1015, %get3A_1023 : vector<16xf32>
      %add3A_1026 = arith.addf %mul3A_1024, %mul3A_1025 : vector<16xf32>
      %lt3A_1027 = arith.constant 0 : i32
      %lt3A_1028 = vector.broadcast %lt3A_1027 : i32 to vector<16xi32>
      %lt3A_1029 = arith.cmpi slt, %and3A_17, %lt3A_1028 : vector<16xi32>
      %add3A_1030 = arith.constant 16 : i32
      %add3A_1031 = vector.broadcast %add3A_1030 : i32 to vector<16xi32>
      %add3A_1032 = arith.addi %and3A_17, %add3A_1031 : vector<16xi32>
      %select_n3A_1033 = arith.select %lt3A_1029, %add3A_1032, %and3A_17 : vector<16xi1>, vector<16xi32>
      %broadcast_in_dim3A_1034 = vector.shape_cast %select_n3A_1033 : vector<16xi32> to vector<16x1xi32>
      %gather3A_1035 = vector.shape_cast %broadcast_in_dim3A_1034 : vector<16x1xi32> to vector<16xi32>
      %gather3A_1036 = tpu.dynamic_gather %add3A_1026[%gather3A_1035] in [0] : vector<16xf32>, vector<16xi32> -> vector<16xf32>
      %add3A_1037 = arith.addf %add3A_1026, %gather3A_1036 : vector<16xf32>
      %lt3A_1038 = arith.constant 0 : i32
      %lt3A_1039 = vector.broadcast %lt3A_1038 : i32 to vector<16xi32>
      %lt3A_1040 = arith.cmpi slt, %and3A_23, %lt3A_1039 : vector<16xi32>
      %add3A_1041 = arith.constant 16 : i32
      %add3A_1042 = vector.broadcast %add3A_1041 : i32 to vector<16xi32>
      %add3A_1043 = arith.addi %and3A_23, %add3A_1042 : vector<16xi32>
      %select_n3A_1044 = arith.select %lt3A_1040, %add3A_1043, %and3A_23 : vector<16xi1>, vector<16xi32>
      %broadcast_in_dim3A_1045 = vector.shape_cast %select_n3A_1044 : vector<16xi32> to vector<16x1xi32>
      %gather3A_1046 = vector.shape_cast %broadcast_in_dim3A_1045 : vector<16x1xi32> to vector<16xi32>
      %gather3A_1047 = tpu.dynamic_gather %add3A_1037[%gather3A_1046] in [0] : vector<16xf32>, vector<16xi32> -> vector<16xf32>
      %add3A_1048 = arith.addf %add3A_1037, %gather3A_1047 : vector<16xf32>
      %lt3A_1049 = arith.constant 0 : i32
      %lt3A_1050 = vector.broadcast %lt3A_1049 : i32 to vector<16xi32>
      %lt3A_1051 = arith.cmpi slt, %and3A_29, %lt3A_1050 : vector<16xi32>
      %add3A_1052 = arith.constant 16 : i32
      %add3A_1053 = vector.broadcast %add3A_1052 : i32 to vector<16xi32>
      %add3A_1054 = arith.addi %and3A_29, %add3A_1053 : vector<16xi32>
      %select_n3A_1055 = arith.select %lt3A_1051, %add3A_1054, %and3A_29 : vector<16xi1>, vector<16xi32>
      %broadcast_in_dim3A_1056 = vector.shape_cast %select_n3A_1055 : vector<16xi32> to vector<16x1xi32>
      %gather3A_1057 = vector.shape_cast %broadcast_in_dim3A_1056 : vector<16x1xi32> to vector<16xi32>
      %gather3A_1058 = tpu.dynamic_gather %add3A_1048[%gather3A_1057] in [0] : vector<16xf32>, vector<16xi32> -> vector<16xf32>
      %add3A_1059 = arith.addf %add3A_1048, %gather3A_1058 : vector<16xf32>
      %lt3A_1060 = arith.constant 0 : i32
      %lt3A_1061 = vector.broadcast %lt3A_1060 : i32 to vector<16xi32>
      %lt3A_1062 = arith.cmpi slt, %and3A_35, %lt3A_1061 : vector<16xi32>
      %add3A_1063 = arith.constant 16 : i32
      %add3A_1064 = vector.broadcast %add3A_1063 : i32 to vector<16xi32>
      %add3A_1065 = arith.addi %and3A_35, %add3A_1064 : vector<16xi32>
      %select_n3A_1066 = arith.select %lt3A_1062, %add3A_1065, %and3A_35 : vector<16xi1>, vector<16xi32>
      %broadcast_in_dim3A_1067 = vector.shape_cast %select_n3A_1066 : vector<16xi32> to vector<16x1xi32>
      %gather3A_1068 = vector.shape_cast %broadcast_in_dim3A_1067 : vector<16x1xi32> to vector<16xi32>
      %gather3A_1069 = tpu.dynamic_gather %add3A_1059[%gather3A_1068] in [0] : vector<16xf32>, vector<16xi32> -> vector<16xf32>
      %add3A_1070 = arith.addf %add3A_1059, %gather3A_1069 : vector<16xf32>
      %eq3A_1071 = arith.constant 14 : i32
      %eq3A_1072 = vector.broadcast %eq3A_1071 : i32 to vector<16xi32>
      %eq3A_1073 = arith.cmpi eq, %iota3A, %eq3A_1072 : vector<16xi32>
      %select_n3A_1074 = arith.select %eq3A_1073, %add3A_1070, %select_n3A_1005 : vector<16xi1>, vector<16xf32>
      %add3A_1075 = arith.constant 15 : i32
      %add3A_1076 = arith.addi %mul3A_43, %add3A_1075 : i32
      %get3A_1077 = arith.index_cast %add3A_1076 : i32 to index
      %get3A_1078 = arith.constant 0 : index
      %get3A_1079 = tpu.vector_load %arg9[%get3A_1077, %get3A_1078] {strides = array<i32>} : memref<512x32xf32, #tpu.memory_space<vmem>>, vector<1x16xf32>,
      %get3A_1080 = vector.shape_cast %get3A_1079 : vector<1x16xf32> to vector<16xf32>
      %get3A_1081 = arith.index_cast %add3A_1076 : i32 to index
      %get3A_1082 = arith.constant 16 : index
      %get3A_1083 = tpu.vector_load %arg9[%get3A_1081, %get3A_1082] {strides = array<i32>} : memref<512x32xf32, #tpu.memory_space<vmem>>, vector<1x16xf32>,
      %get3A_1084 = vector.shape_cast %get3A_1083 : vector<1x16xf32> to vector<16xf32>
      %get3A_1085 = arith.index_cast %add3A_1076 : i32 to index
      %get3A_1086 = arith.constant 0 : index
      %get3A_1087 = tpu.vector_load %arg10[%get3A_1085, %get3A_1086] {strides = array<i32>} : memref<512x32xf32, #tpu.memory_space<vmem>>, vector<1x16xf32>,
      %get3A_1088 = vector.shape_cast %get3A_1087 : vector<1x16xf32> to vector<16xf32>
      %get3A_1089 = arith.index_cast %add3A_1076 : i32 to index
      %get3A_1090 = arith.constant 16 : index
      %get3A_1091 = tpu.vector_load %arg10[%get3A_1089, %get3A_1090] {strides = array<i32>} : memref<512x32xf32, #tpu.memory_space<vmem>>, vector<1x16xf32>,
      %get3A_1092 = vector.shape_cast %get3A_1091 : vector<1x16xf32> to vector<16xf32>
      %mul3A_1093 = arith.mulf %get3A_1080, %get3A_1088 : vector<16xf32>
      %mul3A_1094 = arith.mulf %get3A_1084, %get3A_1092 : vector<16xf32>
      %add3A_1095 = arith.addf %mul3A_1093, %mul3A_1094 : vector<16xf32>
      %lt3A_1096 = arith.constant 0 : i32
      %lt3A_1097 = vector.broadcast %lt3A_1096 : i32 to vector<16xi32>
      %lt3A_1098 = arith.cmpi slt, %and3A_17, %lt3A_1097 : vector<16xi32>
      %add3A_1099 = arith.constant 16 : i32
      %add3A_1100 = vector.broadcast %add3A_1099 : i32 to vector<16xi32>
      %add3A_1101 = arith.addi %and3A_17, %add3A_1100 : vector<16xi32>
      %select_n3A_1102 = arith.select %lt3A_1098, %add3A_1101, %and3A_17 : vector<16xi1>, vector<16xi32>
      %broadcast_in_dim3A_1103 = vector.shape_cast %select_n3A_1102 : vector<16xi32> to vector<16x1xi32>
      %gather3A_1104 = vector.shape_cast %broadcast_in_dim3A_1103 : vector<16x1xi32> to vector<16xi32>
      %gather3A_1105 = tpu.dynamic_gather %add3A_1095[%gather3A_1104] in [0] : vector<16xf32>, vector<16xi32> -> vector<16xf32>
      %add3A_1106 = arith.addf %add3A_1095, %gather3A_1105 : vector<16xf32>
      %lt3A_1107 = arith.constant 0 : i32
      %lt3A_1108 = vector.broadcast %lt3A_1107 : i32 to vector<16xi32>
      %lt3A_1109 = arith.cmpi slt, %and3A_23, %lt3A_1108 : vector<16xi32>
      %add3A_1110 = arith.constant 16 : i32
      %add3A_1111 = vector.broadcast %add3A_1110 : i32 to vector<16xi32>
      %add3A_1112 = arith.addi %and3A_23, %add3A_1111 : vector<16xi32>
      %select_n3A_1113 = arith.select %lt3A_1109, %add3A_1112, %and3A_23 : vector<16xi1>, vector<16xi32>
      %broadcast_in_dim3A_1114 = vector.shape_cast %select_n3A_1113 : vector<16xi32> to vector<16x1xi32>
      %gather3A_1115 = vector.shape_cast %broadcast_in_dim3A_1114 : vector<16x1xi32> to vector<16xi32>
      %gather3A_1116 = tpu.dynamic_gather %add3A_1106[%gather3A_1115] in [0] : vector<16xf32>, vector<16xi32> -> vector<16xf32>
      %add3A_1117 = arith.addf %add3A_1106, %gather3A_1116 : vector<16xf32>
      %lt3A_1118 = arith.constant 0 : i32
      %lt3A_1119 = vector.broadcast %lt3A_1118 : i32 to vector<16xi32>
      %lt3A_1120 = arith.cmpi slt, %and3A_29, %lt3A_1119 : vector<16xi32>
      %add3A_1121 = arith.constant 16 : i32
      %add3A_1122 = vector.broadcast %add3A_1121 : i32 to vector<16xi32>
      %add3A_1123 = arith.addi %and3A_29, %add3A_1122 : vector<16xi32>
      %select_n3A_1124 = arith.select %lt3A_1120, %add3A_1123, %and3A_29 : vector<16xi1>, vector<16xi32>
      %broadcast_in_dim3A_1125 = vector.shape_cast %select_n3A_1124 : vector<16xi32> to vector<16x1xi32>
      %gather3A_1126 = vector.shape_cast %broadcast_in_dim3A_1125 : vector<16x1xi32> to vector<16xi32>
      %gather3A_1127 = tpu.dynamic_gather %add3A_1117[%gather3A_1126] in [0] : vector<16xf32>, vector<16xi32> -> vector<16xf32>
      %add3A_1128 = arith.addf %add3A_1117, %gather3A_1127 : vector<16xf32>
      %lt3A_1129 = arith.constant 0 : i32
      %lt3A_1130 = vector.broadcast %lt3A_1129 : i32 to vector<16xi32>
      %lt3A_1131 = arith.cmpi slt, %and3A_35, %lt3A_1130 : vector<16xi32>
      %add3A_1132 = arith.constant 16 : i32
      %add3A_1133 = vector.broadcast %add3A_1132 : i32 to vector<16xi32>
      %add3A_1134 = arith.addi %and3A_35, %add3A_1133 : vector<16xi32>
      %select_n3A_1135 = arith.select %lt3A_1131, %add3A_1134, %and3A_35 : vector<16xi1>, vector<16xi32>
      %broadcast_in_dim3A_1136 = vector.shape_cast %select_n3A_1135 : vector<16xi32> to vector<16x1xi32>
      %gather3A_1137 = vector.shape_cast %broadcast_in_dim3A_1136 : vector<16x1xi32> to vector<16xi32>
      %gather3A_1138 = tpu.dynamic_gather %add3A_1128[%gather3A_1137] in [0] : vector<16xf32>, vector<16xi32> -> vector<16xf32>
      %add3A_1139 = arith.addf %add3A_1128, %gather3A_1138 : vector<16xf32>
      %eq3A_1140 = arith.constant 15 : i32
      %eq3A_1141 = vector.broadcast %eq3A_1140 : i32 to vector<16xi32>
      %eq3A_1142 = arith.cmpi eq, %iota3A, %eq3A_1141 : vector<16xi32>
      %select_n3A_1143 = arith.select %eq3A_1142, %add3A_1139, %select_n3A_1074 : vector<16xi1>, vector<16xf32>
      %swap3A = arith.index_cast %mul3A_43 : i32 to index
      %swap3A_1144 = tpu.vector_load %arg11[%swap3A] {strides = array<i32>} : memref<512xf32, #tpu.memory_space<vmem>>, vector<16xf32>,
      %swap3A_1145 = vector.shape_cast %swap3A_1144 : vector<16xf32> to vector<16xf32>
      %swap3A_1146 = vector.shape_cast %select_n3A_1143 : vector<16xf32> to vector<16xf32>
      tpu.vector_store %arg11[%swap3A], %swap3A_1146 {strides = array<i32>} : memref<512xf32, #tpu.memory_space<vmem>>, vector<16xf32>,
    }
    %scan3A_40 = arith.constant 32 : i32
    "tpu.region"() ({
      %run_scoped3A = tpu.sem_alloc : memref<!tpu.dma_semaphore, #tpu.memory_space<semaphore_mem>>
      %dma_start3A_41 = tpu.memref_slice %arg6[%mul3A_2] : memref<16384xf32, #tpu.memory_space<hbm>> -> memref<512xf32, #tpu.memory_space<hbm>>
      %dma_start3A_42 = tpu.memref_slice %arg6[%mul3A_2] : memref<16384xf32, #tpu.memory_space<hbm>> -> memref<512xf32, #tpu.memory_space<hbm>>
      tpu.enqueue_dma source(%arg11 : memref<512xf32, #tpu.memory_space<vmem>>) target(%dma_start3A_42 : memref<512xf32, #tpu.memory_space<hbm>>) target_semaphore(%run_scoped3A : memref<!tpu.dma_semaphore, #tpu.memory_space<semaphore_mem>>)
      %dma_wait3A_43 = tpu.memref_slice %arg6[%mul3A_2] : memref<16384xf32, #tpu.memory_space<hbm>> -> memref<512xf32, #tpu.memory_space<hbm>>
      %dma_wait3A_44 = tpu.memref_slice %arg6[%mul3A_2] : memref<16384xf32, #tpu.memory_space<hbm>> -> memref<512xf32, #tpu.memory_space<hbm>>
      tpu.wait_dma2 semaphore(%run_scoped3A : memref<!tpu.dma_semaphore, #tpu.memory_space<semaphore_mem>>) src(%arg11 : memref<512xf32, #tpu.memory_space<vmem>>) dst(%dma_wait3A_44 : memref<512xf32, #tpu.memory_space<hbm>>)
      tpu.yield
    }) : () -> ()
    return
  }
}

</mosaic_0001>

<sc_bundles>
// kernel: kernel.3.cloned.1.call-start
scs
__scs_entry_jumppad:
0x0: {  	(pc) =	sbr.rel $0x88, $3  }
0x1: {  	(tag) =	ssettag $0x0;
	lr =	simm.s32 $0x1  }
0x2: {  	[smem:$0x3F9D] =	sst lr;
	_ =	strace $0xD0000000  }
0x3: {  	_ = 	snop  }
0x4: {  	_ = 	snop  }
0x5: {  	_ = 	snop  }
0x6: {  	_ = 	snop  }
0x7: {  	_ = 	snop  }
__scs_overlays_trampoline_lowered:
0x8: {  	[smem:$0x3FAC] =	sst s0  }
0x9: {  	[smem:$0x3FAD] =	sst s1  }
0xa: {  	[smem:$0x3FAE] =	sst s2  }
0xb: {  	[smem:$0x3FAF] =	sst s3  }
0xc: {  	[smem:$0x3FB0] =	sst s4  }
0xd: {  	[smem:$0x3FB1] =	sst s5  }
0xe: {  	[smem:$0x3FB2] =	sst s6  }
0xf: {  	[smem:$0x3FB3] =	sst s7  }
0x10: {  	[smem:$0x3FB4] =	sst s8  }
0x11: {  	[smem:$0x3FB5] =	sst s9;
	s0 =	simm.s32 @!p0 $0x0  }
0x12: {  	s1 =	sld [smem:$0x3F9B];
	s0 =	simm.s32 @p0 $0x1  }
0x13: {  	[smem:$0x3FB6] =	sst s0;
	s0 =	simm.s32 @!p1 $0x0  }
0x14: {  	s2 =	sld [smem:$0x3F9A];
	s0 =	simm.s32 @p1 $0x1  }
0x15: {  	[smem:$0x3FB7] =	sst s0;
	s0 =	simm.s32 @!p2 $0x0  }
0x16: {  	s3 =	sld [smem:$0x3FDB];
	s0 =	simm.s32 @p2 $0x1  }
0x17: {  	s4 =	simm.s32 $0x1BF5;
	[smem:$0x3FB9] =	sst s0  }
0x18: {  	s0 =	sld [smem:$0x3F9C];
	_ =	swait.ge [sflag:s4], $0x0  }
0x19: {  	s7 =	sld [smem:$0x3F9D]  }
0x1a: {  	s8 =	sadd.s32 $0xFFFFE003, lr  }
0x1b: {  	s9 =	sadd.s32 $0xFFFFFEF7, lr;
	s5 =	simm.s32 $0xFFFFFFFF;
	p2 =	slt.u32 s8, $0xFFFFF086  }
0x1c: {  	p1 =	slt.u32 s9, $0xF7A;
	s5 =	simm.s32 @!p2 $0x0  }
0x1d: {  	s5 =	simm.s32 @p1 $0x1;
	p0 =	seq.s32 s7, s2  }
0x1e: {  	s7 =	smul.u32 @!p0 $0xF7A, s2;
	p2 =	seq.s32 @!p0 s5, $0x0  }
0x1f: {  	s9 =	smul.u32 $0xF7A, s1;
	s8 =	simm.s32 @!p0 $0x1BF5;
	p2 =	por !p2, p0  }
0x20: {  	[sflag:s8] =	ssyncset.s32 @!p0 $0xFFFFF086;
	s6 =	sadd.s32 @!p0 s3, s7;
	s7 =	simm.s32 @!p0 $0x108  }
0x21: {  	s3 =	sadd.s32 s3, s9;
	s6 =	sadd.s32 @!p0 $0x88, s6;
	s7 =	simm.s32 @p2 $0x1082  }
0x22: {  	[simem:s7], [sflag:s8] =	dma.local @!p0 [hbm:s6], $0xF7A  }
0x23: {  	s9 =	sor.u32 $0xD0000000, s2;
	s6 =	simm.s32 $0x108;
	_ =	swait.ge @!p0 [sflag:s8], $0x0  }
0x24: {  	s3 =	sadd.s32 $0x88, s3;
	s6 =	simm.s32 @!p1 $0x1082;
	[sflag:s4] =	ssyncset.s32 $0xFFFFF086  }
0x25: {  	[simem:s6], [sflag:s4] =	dma.local [hbm:s3], $0xF7A  }
0x26: {  	[smem:$0x3F9D] =	sst s1;
	(tag) =	ssettag s2;
	_ =	strace s9  }
0x27: {  	s1 =	sld [smem:$0x3FAD]  }
0x28: {  	s2 =	sld [smem:$0x3FAE]  }
0x29: {  	s4 =	sld [smem:$0x3FB0]  }
0x2a: {  	p0 =	seq.s32 s5, $0x0;
	s5 =	sld [smem:$0x3FB1]  }
0x2b: {  	s6 =	sld [smem:$0x3FB2]  }
0x2c: {  	s7 =	sld [smem:$0x3FB3]  }
0x2d: {  	s3 =	simm.s32 $0x108;
	s8 =	sld [smem:$0x3FB4]  }
0x2e: {  	s3 =	simm.s32 @!p0 $0x1082;
	s9 =	sld [smem:$0x3FB5]  }
0x2f: {  	lr =	sadd.s32 s0, s3;
	s0 =	sld [smem:$0x3FAC]  }
0x30: {  	s3 =	sld [smem:$0x3FAF]  }
0x31: {  	[smem:$0x3FB8] =	sst s10  }
0x32: {  	s10 =	sld [smem:$0x3FB6];
	_ =	sdelay $0x3  }
0x33: {  	p0 =	seq.s32 s10, $0x1;
	s10 =	sld [smem:$0x3FB8];
	_ =	sdelay $0x3  }
0x34: {  	[smem:$0x3FB8] =	sst s10  }
0x35: {  	s10 =	sld [smem:$0x3FB7];
	_ =	sdelay $0x3  }
0x36: {  	p1 =	seq.s32 s10, $0x1;
	s10 =	sld [smem:$0x3FB8];
	_ =	sdelay $0x3  }
0x37: {  	[smem:$0x3FB8] =	sst s10  }
0x38: {  	s10 =	sld [smem:$0x3FB9]  }
0x39: {  	_ = 	snop;
	(pc) =	sbr.ind lr, $3  }
0x3a: {  	_ = 	snop  }
0x3b: {  	_ = 	snop  }
0x3c: {  	p2 =	seq.s32 s10, $0x1;
	s10 =	sld [smem:$0x3FB8]  }
0x3d: {  	_ =	shalt  }
0x3e: {  	_ =	shalt  }
0x3f: {  	_ =	shalt  }
0x40: {  	_ =	shalt  }
0x41: {  	_ =	shalt  }
0x42: {  	_ =	shalt  }
0x43: {  	_ =	shalt  }
0x44: {  	_ =	shalt  }
0x45: {  	_ =	shalt  }
0x46: {  	_ =	shalt  }
0x47: {  	_ =	shalt  }
0x48: {  	_ =	shalt  }
0x49: {  	_ =	shalt  }
0x4a: {  	_ =	shalt  }
0x4b: {  	_ =	shalt  }
0x4c: {  	_ =	shalt  }
0x4d: {  	_ =	shalt  }
0x4e: {  	_ =	shalt  }
0x4f: {  	_ =	shalt  }
0x50: {  	_ =	shalt  }
0x51: {  	_ =	shalt  }
0x52: {  	_ =	shalt  }
0x53: {  	_ =	shalt  }
0x54: {  	_ =	shalt  }
0x55: {  	_ =	shalt  }
0x56: {  	_ =	shalt  }
0x57: {  	_ =	shalt  }
0x58: {  	_ =	shalt  }
0x59: {  	_ =	shalt  }
0x5a: {  	_ =	shalt  }
0x5b: {  	_ =	shalt  }
0x5c: {  	_ =	shalt  }
0x5d: {  	_ =	shalt  }
0x5e: {  	_ =	shalt  }
0x5f: {  	_ =	shalt  }
0x60: {  	_ =	shalt  }
0x61: {  	_ =	shalt  }
0x62: {  	_ =	shalt  }
0x63: {  	_ =	shalt  }
0x64: {  	_ =	shalt  }
0x65: {  	_ =	shalt  }
0x66: {  	_ =	shalt  }
0x67: {  	_ =	shalt  }
0x68: {  	_ =	shalt  }
0x69: {  	_ =	shalt  }
0x6a: {  	_ =	shalt  }
0x6b: {  	_ =	shalt  }
0x6c: {  	_ =	shalt  }
0x6d: {  	_ =	shalt  }
0x6e: {  	_ =	shalt  }
0x6f: {  	_ =	shalt  }
0x70: {  	_ =	shalt  }
0x71: {  	_ =	shalt  }
0x72: {  	_ =	shalt  }
0x73: {  	_ =	shalt  }
0x74: {  	_ =	shalt  }
0x75: {  	_ =	shalt  }
0x76: {  	_ =	shalt  }
0x77: {  	_ =	shalt  }
0x78: {  	_ =	shalt  }
0x79: {  	_ =	shalt  }
0x7a: {  	_ =	shalt  }
0x7b: {  	_ =	shalt  }
0x7c: {  	_ =	shalt  }
0x7d: {  	_ =	shalt  }
0x7e: {  	_ =	shalt  }
0x7f: {  	_ =	shalt  }
0x80: {  	_ =	shalt  }
0x81: {  	_ =	shalt  }
0x82: {  	_ =	shalt  }
0x83: {  	_ =	shalt  }
0x84: {  	_ =	shalt  }
0x85: {  	_ =	shalt  }
0x86: {  	_ =	shalt  }
0x87: {  	_ =	shalt  }
.Lfunc_end0:
.L_simem_size_0:
called_computation_lowered:
.L_overlay_start_0:
0x88: {  	s2 =	sld [smem:$0x3FD9]  }
0x89: {  	s3 =	sld [smem:$0x3FFE];
	_ =	sdelay $0x1  }
0x8a: {  	s1 =	srdreg.scid  }
0x8b: {  	s0 =	sand.u32 $0x1, s1  }
0x8c: {  	s17 =	sshll.u32 s0, $0xA;
	s2 =	sadd.s32 s3, s2  }
0x8d: {  	s2 =	sadd.s32 s2, s17  }
0x8e: {  	[smem:$0x3FC4] =	sst s2  }
0x8f: {  	_ = 	snop  }
0x90: {  	s2 =	sld [smem:$0x3FC9]  }
0x91: {  	s18 =	sld [smem:$0x3FC8]  }
0x92: {  	s4 =	sld [smem:$0x3FD0];
	(tm) =	ssettm $0x1  }
0x93: {  	s5 =	sld [smem:$0x3FFB];
	_ =	sdelay $0x3  }
0x94: {  	_ =	strace s5  }
0x95: {  	s5 =	sld [smem:$0x3FFC];
	_ =	sdelay $0x3  }
0x96: {  	_ =	strace s5  }
0x97: {  	s5 =	sld [smem:$0x3FFD];
	_ =	sdelay $0x3  }
0x98: {  	_ =	strace s5  }
0x99: {  	_ =	strace $0x8FFFFFFF  }
0x9a: {  	s19 =	sld [smem:$0x3FDB];
	_ =	sdelay $0x1  }
0x9b: {  	s6 =	simm.s32 $_scs_section_size  }
0x9c: {  	s7 =	simm.s32 $_size__tile_overlayer_lowered;
	s8 =	simm.s32 $_tile_overlayer_lowered  }
0x9d: {  	s22 =	simm.s32 $0x1BFF;
	s21 =	sshll.u32 s8, $0x1;
	s5 =	sadd.s32 s6, s19  }
0x9e: {  	s9 =	simm.s32 $0x0;
	s20 =	sshll.u32 s7, $0x1;
	s7 =	sadd.s32 s21, s5  }
0x9f: {  	[timem:s9], [sflag:s22] =	dma.local [hbm:s7], s20  }
0xa0: {  	_ =	swait.ge [sflag:s22], s20  }
0xa1: {  	s6 =	ssub.s32 $0x0, s20;
	[sflag:s22] =	ssyncset.done $0x0  }
0xa2: {  	[sflag:s22] =	ssyncadd.s32 s6;
	_ =	sdelay $0x1  }
0xa3: {  	s23 =	simm.s32 $0x1B8B  }
0xa4: {  	_ =	swait.ge [sflag:s23], $0x1  }
0xa5: {  	[sflag:s23] =	ssyncset.done $0x0  }
0xa6: {  	s25 =	simm.s32 $0x1B8E;
	s24 =	sld [smem:$0x3FFE];
	[sflag:s23] =	ssyncadd.s32 $0xFFFFFFFF  }
0xa7: {  	s26 =	simm.s32 $execute0_lowered;
	[smem:$0x3FD2] =	sst s25  }
0xa8: {  	s7 =	sshll.u32 s26, $0x1;
	_ =	strace $0x80000046;
	[dreg:$0x1] =	wrdreg $0xFFFFFFFF  }
0xa9: {  	s28 =	simm.s32 $_size_execute0_lowered;
	s5 =	sadd.s32 s5, s7;
	[dreg:$0x0] =	wrdreg $0x0  }
0xaa: {  	s7 =	sshll.u32 s28, $0x1;
	[dreg:$0x2] =	wrdreg s5  }
0xab: {  	[dreg:$0x3] =	wrdreg s7  }
0xac: {  	[dreg:$0x4] =	wrdreg $0xC0  }
0xad: {  	_ =	task [dreg:s9], $0x5FFFF  }
0xae: {  	[dreg:$0x1] =	wrdreg $0xFFFFFFFF  }
0xaf: {  	[dreg:$0x0] =	wrdreg $0x60  }
0xb0: {  	[dreg:$0x2] =	wrdreg s2  }
0xb1: {  	[dreg:$0x3] =	wrdreg s18  }
0xb2: {  	[dreg:$0x4] =	wrdreg s24  }
0xb3: {  	[dreg:$0x5] =	wrdreg s4  }
0xb4: {  	[dreg:$0x6] =	wrdreg $0x9  }
0xb5: {  	_ =	task.clear_ibuf [dreg:s9], $0x7FFFF;
	_ =	strace $0x90000046  }
0xb6: {  	s29 =	simm.s32 $0x9;
	_ =	strace $0x80000048  }
0xb7: {  	_ =	swait.ge [sflag:s29], $0x1  }
0xb8: {  	[sflag:s29] =	ssyncadd.s32 $0xFFFFFFFF  }
0xb9: {  	_ =	strace $0x90000048  }
0xba: {  	_ =	sfence  }
0xbb: {  	s30 =	sld [smem:$0x0];
	_ =	sdelay $0x2  }
0xbc: {  	s31 =	sshll.u32 s1, $0xD;
	s1 =	sshrl.u32 s1, $0x2  }
0xbd: {  	s3 =	sand.u32 $0x4000, s31;
	s1 =	sadd.s32 s1, s30  }
0xbe: {  	s0 =	sor.u32 s3, s0;
	s1 =	sshll.u32 s1, $0x11  }
0xbf: {  	s0 =	sor.u32 s1, s0  }
0xc0: {  	s0 =	sadd.s32 $0x8F2B, s0  }
0xc1: {  	[sflag:s0] =	ssyncadd.remote.s32 $0x1  }
0xc2: {  	_ =	sfence.sel $0xFFFF  }
0xc3: {  	[dreg:$0x0] =	wrdreg $0xFFFFFFFF;
	(pc) =	sbr.abs _section_cstart, $3  }
0xc4: {  	[dreg:$0x1] =	wrdreg $0xFFFFFFFF  }
0xc5: {  	_ =	task.clear_ibuf [dreg:s9], $0x2FFFF;
	_ =	strace $0x9FFFFFFF  }
0xc6: {  	(tm) =	ssettm $0x7FFFFFFF  }
0xc7: {  	_ =	shalt  }
tec
execute0_lowered:
.L_overlay_start_1:
0x0: {  	(tag) =	ssettag $0x1  }
0x1: {  	v0 =	vimm.s32 $0xFEDCBA98;
	v1 =	vimm.s32 $0x76543210  }
0x2: {  	v2 =	vimm.s32 $0x3210FEDC;
	v3 =	vimm.s32 $0xBA987654;
	v4 =	vimm.s32 $0x10FEDCBA  }
0x3: {  	v5 =	vimm.s32 $0x98765432;
	v6 =	vimm.s32 $0xFEDCBA9;
	v7 =	vimm.s32 $0x87654321  }
0x4: {  	s5 =	rddreg [dreg:$0x0];
	vm0 =	vmmov $0x1;
	vm1 =	vmmov $0x3;
	vm2 =	vmmov $0x7  }
0x5: {  	s6 =	rddreg [dreg:$0x1];
	vm3 =	vmmov $0xf;
	vm4 =	vmmov $0x1f;
	vm5 =	vmmov $0x3f  }
0x6: {  	s4 =	rddreg [dreg:$0x2];
	vm6 =	vmmov $0x7f;
	vm7 =	vmmov $0xff;
	vm8 =	vmmov $0x1ff  }
0x7: {  	s7 =	rddreg [dreg:$0x3];
	vm9 =	vmmov $0x3ff;
	vm10 =	vmmov $0x7ff;
	vm11 =	vmmov $0xfff  }
0x8: {  	s0 =	rddreg [dreg:$0x4];
	s1 =	simm.s32 $0x0;
	s2 =	srdreg.scid;
	v0 =	vunpack.c.l.s4.s8 v0;
	v1 =	vunpack.c.l.s4.s8 v1;
	v2 =	vunpack.c.l.s4.s8 v2  }
0x9: {  	s12 =	simm.s32 $0x4400;
	s13 =	simm.s32 $0x1;
	s14 =	simm.s32 $0x2;
	v3 =	vunpack.c.l.s4.s8 v3;
	v4 =	vunpack.c.l.s4.s8 v4;
	v5 =	vunpack.c.l.s4.s8 v5  }
0xa: {  	s15 =	simm.s32 $0x8400;
	s16 =	simm.s32 $0x0;
	v6 =	vunpack.c.l.s4.s8 v6;
	v7 =	vunpack.c.l.s4.s8 v7;
	[smem:$0x7FF] =	sst s1;
	v0 =	vunpack.c.0.s8.s32 v0  }
0xb: {  	s8 =	sand.u32 $0x1, s2;
	s3 =	sadd.s32 $0xF42800, s4;
	s2 =	stileid.u32;
	v2 =	vunpack.c.0.s8.s32 v2;
	v3 =	vunpack.c.0.s8.s32 v3;
	v4 =	vunpack.c.0.s8.s32 v4  }
0xc: {  	s4 =	sadd.s32 $0x1313200, s4;
	_ =	strace $0x80000047;
	s9 =	ssub.s32 $0x2, s8;
	v5 =	vunpack.c.0.s8.s32 v5;
	v6 =	vunpack.c.0.s8.s32 v6;
	v7 =	vunpack.c.0.s8.s32 v7  }
0xd: {  	vm12 =	vmmov $0x1fff;
	s11 =	sshll.u32 s2, $0x7;
	s8 =	sshll.u32 s8, $0x6;
	v1 =	vunpack.c.0.s8.s32 v1;
	s10 =	sshrl.u32 s9, $0x1;
	v2 =	vcombine.low v3, v2  }
0xe: {  	s8 =	sor.u32 s8, s11;
	s11 =	simm.s32 $0x400;
	s9 =	ssub.s32 s9, s10;
	v3 =	vcombine.low v5, v4;
	v4 =	vcombine.low v7, v6;
	v0 =	vand.u32 $0xF, v0  }
0xf: {  	vm13 =	vmmov $0x3fff;
	vm14 =	vmmov $0x7fff;
	s5 =	sadd.s32 s5, s8;
	s6 =	sadd.s32 s6, s8;
	s7 =	sadd.s32 s7, s8;
	v0 =	vcombine.low v0, v1  }
0x10: {  	s10 =	simm.s32 $0x200;
	s8 =	smax.u32 s9, $0x1;
	s9 =	simm.s32 $0x3;
	v1 =	vand.u32 $0xF, v2;
	v2 =	vand.u32 $0xF, v3;
	v3 =	vand.u32 $0xF, v4  }
.LBB2_1:
0x11: {  	[tilespmem:s1], [sflag:$0x3] =	stream.linear.gather [hbm4b:s5+s1], $0x200, $0x38;
	[tilespmem:$0x8600] =	vst v63  }
0x12: {  	_ =	swait.ge [sflag:s9], $0x200  }
0x13: {  	[sflag:s9] =	ssyncset.done $0x0  }
0x14: {  	[sflag:s9] =	ssyncadd.s32 $0xFFFFFE00  }
0x15: {  	[tilespmem:s10], [sflag:$0x3] =	stream.linear.gather [hbm4b:s6+s1], $0x200, $0x38;
	[tilespmem:$0x8600] =	vst v63  }
0x16: {  	_ =	swait.ge [sflag:s9], $0x200  }
0x17: {  	[sflag:s9] =	ssyncset.done $0x0  }
0x18: {  	[sflag:s9] =	ssyncadd.s32 $0xFFFFFE00  }
0x19: {  	[tilespmem:s11], [sflag:$0x1] =	stream.indirect.gather [hbm4b:s3+s10], $0x20, s1, s10, $0xb8;
	[tilespmem:$0x8600] =	vst v63  }
0x1a: {  	_ = 	snop  }
0x1b: {  	[tilespmem:s12], [sflag:$0x2] =	stream.indirect.gather [hbm4b:s4+s10], $0x20, s10, s10, $0xb8;
	[tilespmem:$0x8600] =	vst v63  }
0x1c: {  	_ =	swait.ge [sflag:s13], $0x4000  }
0x1d: {  	[sflag:s13] =	ssyncset.done $0x0  }
0x1e: {  	[sflag:s13] =	ssyncadd.s32 $0xFFFFC000  }
0x1f: {  	_ =	swait.ge [sflag:s14], $0x4000  }
0x20: {  	[sflag:s14] =	ssyncset.done $0x0  }
0x21: {  	s17 =	simm.s32 $0x0;
	[sflag:s14] =	ssyncadd.s32 $0xFFFFC000  }
0x22: {  	v4 =	vld [tilespmem:s17+$0x5E0]  }
0x23: {  	v5 =	vld [tilespmem:s17+$0x45E0]  }
0x24: {  	v6 =	vld [tilespmem:s17+$0x5F0]  }
0x25: {  	v7 =	vld [tilespmem:s17+$0x45F0]  }
0x26: {  	v8 =	vld [tilespmem:s17+$0x5C0]  }
0x27: {  	v9 =	vld [tilespmem:s17+$0x45C0]  }
0x28: {  	v10 =	vld [tilespmem:s17+$0x5D0]  }
0x29: {  	v11 =	vld [tilespmem:s17+$0x45D0]  }
0x2a: {  	v12 =	vld [tilespmem:s17+$0x5A0]  }
0x2b: {  	v13 =	vld [tilespmem:s17+$0x45A0]  }
0x2c: {  	v14 =	vld [tilespmem:s17+$0x5B0]  }
0x2d: {  	v15 =	vld [tilespmem:s17+$0x45B0]  }
0x2e: {  	v16 =	vld [tilespmem:s17+$0x580]  }
0x2f: {  	v17 =	vld [tilespmem:s17+$0x4580]  }
0x30: {  	v18 =	vld [tilespmem:s17+$0x590]  }
0x31: {  	v19 =	vld [tilespmem:s17+$0x4590]  }
0x32: {  	v20 =	vld [tilespmem:s17+$0x560]  }
0x33: {  	v21 =	vld [tilespmem:s17+$0x4560]  }
0x34: {  	v22 =	vld [tilespmem:s17+$0x570]  }
0x35: {  	v23 =	vld [tilespmem:s17+$0x4570]  }
0x36: {  	v24 =	vld [tilespmem:s17+$0x540]  }
0x37: {  	v25 =	vld [tilespmem:s17+$0x4540]  }
0x38: {  	v26 =	vld [tilespmem:s17+$0x550]  }
0x39: {  	v27 =	vld [tilespmem:s17+$0x4550]  }
0x3a: {  	v28 =	vld [tilespmem:s17+$0x520]  }
0x3b: {  	v29 =	vld [tilespmem:s17+$0x4520]  }
0x3c: {  	v30 =	vld [tilespmem:s17+$0x530]  }
0x3d: {  	v31 =	vld [tilespmem:s17+$0x4530]  }
0x3e: {  	v32 =	vld [tilespmem:s17+$0x500]  }
0x3f: {  	v33 =	vld [tilespmem:s17+$0x4500]  }
0x40: {  	v34 =	vld [tilespmem:s17+$0x4A0]  }
0x41: {  	v37 =	vld [tilespmem:s17+$0x44A0]  }
0x42: {  	v61 =	vld [tilespmem:s17+$0x4450]  }
0x43: {  	v43 =	vld [tilespmem:s17+$0x4470]  }
0x44: {  	v4 =	vmul.f32 v5, v4;
	v5 =	vmul.f32 v7, v6;
	v7 =	vld [tilespmem:s17+$0x510]  }
0x45: {  	v6 =	vmul.f32 v9, v8;
	v8 =	vmul.f32 v11, v10;
	v9 =	vld [tilespmem:s17+$0x4510]  }
0x46: {  	v10 =	vmul.f32 v13, v12;
	v11 =	vmul.f32 v15, v14;
	v12 =	vld [tilespmem:s17+$0x4E0]  }
0x47: {  	v13 =	vmul.f32 v17, v16;
	v14 =	vmul.f32 v19, v18;
	v15 =	vld [tilespmem:s17+$0x44E0]  }
0x48: {  	v16 =	vld [tilespmem:s17+$0x4C0];
	v20 =	vmul.f32 v21, v20;
	v21 =	vmul.f32 v23, v22  }
0x49: {  	v19 =	vld [tilespmem:s17+$0x44C0];
	v23 =	vmul.f32 v25, v24;
	v24 =	vmul.f32 v27, v26;
	v6 =	vadd.f32 v8, v6  }
0x4a: {  	v26 =	vmul.f32 v29, v28;
	v27 =	vmul.f32 v31, v30;
	v4 =	vadd.f32 v5, v4;
	v8 =	vld [tilespmem:s17+$0x4F0]  }
0x4b: {  	v5 =	vadd.f32 v14, v13;
	v10 =	vadd.f32 v11, v10;
	v11 =	vld [tilespmem:s17+$0x44F0];
	v13 =	vperm.xlane v6, v0  }
0x4c: {  	v14 =	vperm.xlane v4, v0;
	v7 =	vmul.f32 v9, v7;
	v9 =	vadd.f32 v21, v20;
	v20 =	vld [tilespmem:s17+$0x470]  }
0x4d: {  	v17 =	vperm.xlane v5, v0;
	v12 =	vmul.f32 v15, v12;
	v15 =	vld [tilespmem:s17+$0x440]  }
0x4e: {  	v18 =	vperm.xlane v10, v0;
	v16 =	vmul.f32 v19, v16;
	v19 =	vld [tilespmem:s17+$0x4440]  }
0x4f: {  	v28 =	vmul.f32 v33, v32;
	v21 =	vld [tilespmem:s17+$0x450];
	v6 =	vadd.f32 v6, v13;
	v4 =	vadd.f32 v4, v14  }
0x50: {  	v34 =	vmul.f32 v37, v34;
	v13 =	vld [tilespmem:s17+$0x4D0];
	v5 =	vadd.f32 v5, v17;
	v10 =	vadd.f32 v10, v18  }
0x51: {  	v14 =	vld [tilespmem:s17+$0x44D0];
	v8 =	vmul.f32 v11, v8;
	v11 =	vadd.f32 v24, v23;
	v17 =	vperm.xlane v6, v1  }
0x52: {  	v7 =	vadd.f32 v7, v28;
	v18 =	vperm.xlane v4, v1;
	v35 =	vperm.xlane v5, v1  }
0x53: {  	v57 =	vld [tilespmem:s17+$0x44B0];
	v36 =	vperm.xlane v10, v1;
	v8 =	vadd.f32 v8, v12;
	v12 =	vperm.xlane v9, v0  }
0x54: {  	v38 =	vld [tilespmem:s17+$0x480];
	v23 =	vperm.xlane v11, v0;
	v6 =	vadd.f32 v6, v17;
	v4 =	vadd.f32 v4, v18  }
0x55: {  	v41 =	vld [tilespmem:s17+$0x4480];
	v18 =	vadd.f32 v5, v35;
	v15 =	vmul.f32 v19, v15;
	v19 =	vmul.f32 v61, v21  }
0x56: {  	v25 =	vld [tilespmem:s17+$0x460];
	v10 =	vadd.f32 v10, v36;
	v20 =	vmul.f32 v43, v20;
	v13 =	vmul.f32 v14, v13  }
0x57: {  	v29 =	vld [tilespmem:s17+$0x420];
	v14 =	vadd.f32 v27, v26;
	v26 =	vperm.xlane v8, v0;
	v27 =	vperm.xlane v7, v0  }
0x58: {  	v24 =	vld [tilespmem:s17+$0x4400];
	v9 =	vadd.f32 v9, v12;
	v5 =	vperm.xlane v6, v2;
	v58 =	vperm.xlane v4, v2  }
0x59: {  	v17 =	vld [tilespmem:s17+$0x4B0];
	v11 =	vadd.f32 v11, v23;
	v39 =	vperm.xlane v18, v2;
	v40 =	vperm.xlane v10, v2  }
0x5a: {  	v12 =	vld [tilespmem:s17+$0x400];
	v15 =	vadd.f32 v19, v15;
	v13 =	vadd.f32 v13, v16;
	v16 =	vperm.xlane v14, v0  }
0x5b: {  	v19 =	vmul.f32 v41, v38;
	v8 =	vadd.f32 v8, v26;
	v26 =	vld [tilespmem:s17+$0x4410];
	v5 =	vadd.f32 v6, v5  }
0x5c: {  	v23 =	vperm.xlane v9, v1;
	v6 =	vadd.f32 v10, v40;
	v10 =	vld [tilespmem:s17+$0x4460];
	v14 =	vadd.f32 v14, v16  }
0x5d: {  	v7 =	vadd.f32 v7, v27;
	v28 =	vperm.xlane v13, v0;
	v16 =	vld [tilespmem:s17+$0x410];
	v30 =	vperm.xlane v8, v1  }
0x5e: {  	v4 =	vadd.f32 v4, v58;
	v9 =	vadd.f32 v9, v23;
	v23 =	vld [tilespmem:s17+$0x4420];
	v27 =	vperm.xlane v14, v1  }
0x5f: {  	v31 =	vperm.xlane v7, v1;
	v13 =	vadd.f32 v13, v28;
	v8 =	vadd.f32 v8, v30;
	v30 =	vld [tilespmem:s17+$0x4430]  }
0x60: {  	v17 =	vmul.f32 v57, v17;
	v28 =	vperm.xlane v11, v1;
	v14 =	vadd.f32 v14, v27;
	v27 =	vld [tilespmem:s17+$0x430]  }
0x61: {  	v12 =	vmul.f32 v24, v12;
	v7 =	vadd.f32 v7, v31;
	v59 =	vperm.xlane v13, v1  }
0x62: {  	v22 =	vld [tilespmem:s17+$0x490];
	v11 =	vadd.f32 v11, v28;
	v28 =	vperm.xlane v9, v2;
	v62 =	vperm.xlane v8, v2  }
0x63: {  	v18 =	vadd.f32 v18, v39;
	v63 =	vperm.xlane v7, v2;
	v10 =	vmul.f32 v10, v25;
	v25 =	vld [tilespmem:s17+$0x4490]  }
0x64: {  	v17 =	vadd.f32 v17, v34;
	v16 =	vmul.f32 v26, v16;
	v23 =	vmul.f32 v23, v29  }
0x65: {  	v13 =	vadd.f32 v13, v59;
	v9 =	vadd.f32 v9, v28;
	v24 =	vmul.f32 v30, v27  }
0x66: {  	v31 =	vperm.xlane v14, v2;
	v7 =	vadd.f32 v7, v63;
	v8 =	vadd.f32 v8, v62  }
0x67: {  	v60 =	vperm.xlane v11, v2;
	v12 =	vadd.f32 v16, v12;
	v16 =	vadd.f32 v24, v23  }
0x68: {  	v10 =	vadd.f32 v20, v10;
	v20 =	vperm.xlane v15, v0;
	v21 =	vmul.f32 v25, v22  }
0x69: {  	v11 =	vadd.f32 v11, v60;
	v22 =	vperm.xlane v12, v0;
	v23 =	vperm.xlane v16, v0  }
0x6a: {  	v44 =	vperm.xlane v13, v2;
	v14 =	vadd.f32 v14, v31;
	v19 =	vadd.f32 v21, v19  }
0x6b: {  	v12 =	vadd.f32 v12, v22;
	v21 =	vperm.xlane v10, v0;
	v16 =	vadd.f32 v16, v23  }
0x6c: {  	v15 =	vadd.f32 v15, v20;
	v22 =	vperm.xlane v17, v0;
	v20 =	vperm.xlane v19, v0  }
0x6d: {  	v10 =	vadd.f32 v10, v21;
	v23 =	vperm.xlane v12, v1;
	v24 =	vperm.xlane v16, v1  }
0x6e: {  	v21 =	vperm.xlane v15, v1;
	v17 =	vadd.f32 v17, v22;
	v19 =	vadd.f32 v19, v20  }
0x6f: {  	v20 =	vperm.xlane v10, v1;
	v12 =	vadd.f32 v12, v23;
	v16 =	vadd.f32 v16, v24  }
0x70: {  	v15 =	vadd.f32 v15, v21;
	v22 =	vperm.xlane v17, v1;
	v21 =	vperm.xlane v19, v1  }
0x71: {  	v10 =	vadd.f32 v10, v20;
	v23 =	vperm.xlane v12, v2;
	v24 =	vperm.xlane v16, v2  }
0x72: {  	v20 =	vperm.xlane v15, v2;
	v17 =	vadd.f32 v17, v22;
	v19 =	vadd.f32 v19, v21  }
0x73: {  	v21 =	vperm.xlane v10, v2;
	v12 =	vadd.f32 v12, v23;
	v16 =	vadd.f32 v16, v24  }
0x74: {  	v15 =	vadd.f32 v15, v20;
	v22 =	vperm.xlane v17, v2;
	v20 =	vperm.xlane v19, v2  }
0x75: {  	v10 =	vadd.f32 v10, v21;
	v23 =	vperm.xlane v12, v3;
	v24 =	vperm.xlane v16, v3  }
0x76: {  	v21 =	vperm.xlane v15, v3;
	v17 =	vadd.f32 v17, v22;
	v19 =	vadd.f32 v19, v20  }
0x77: {  	v20 =	vperm.xlane v10, v3;
	v12 =	vadd.f32 v12, v23;
	v16 =	vadd.f32 v16, v24  }
0x78: {  	v13 =	vadd.f32 v13, v44;
	v15 =	vadd.f32 v15, v21;
	v21 =	vperm.xlane v19, v3  }
0x79: {  	v10 =	vadd.f32 v10, v20;
	v12 =	vsel vm0, v12, v16;
	v16 =	vperm.xlane v17, v3  }
0x7a: {  	v12 =	vsel vm1, v12, v15;
	v15 =	vadd.f32 v19, v21;
	v19 =	vperm.xlane v13, v3  }
0x7b: {  	v10 =	vsel vm2, v12, v10;
	v12 =	vadd.f32 v17, v16;
	v16 =	vperm.xlane v8, v3  }
0x7c: {  	v10 =	vsel vm3, v10, v15;
	v13 =	vadd.f32 v13, v19;
	v15 =	vperm.xlane v7, v3  }
0x7d: {  	v10 =	vsel vm4, v10, v12;
	v8 =	vadd.f32 v8, v16;
	v12 =	vperm.xlane v14, v3  }
0x7e: {  	v10 =	vsel vm5, v10, v13;
	v7 =	vadd.f32 v7, v15;
	v13 =	vperm.xlane v11, v3  }
0x7f: {  	v8 =	vsel vm6, v10, v8;
	v10 =	vadd.f32 v14, v12;
	v12 =	vperm.xlane v9, v3  }
0x80: {  	v7 =	vsel vm7, v8, v7;
	v8 =	vadd.f32 v11, v13;
	v11 =	vperm.xlane v18, v3  }
0x81: {  	v7 =	vsel vm8, v7, v10;
	v9 =	vadd.f32 v9, v12;
	v10 =	vperm.xlane v6, v3  }
0x82: {  	v7 =	vsel vm9, v7, v8;
	v8 =	vadd.f32 v18, v11;
	v11 =	vperm.xlane v5, v3  }
0x83: {  	v7 =	vsel vm10, v7, v9;
	v6 =	vadd.f32 v6, v10;
	v9 =	vperm.xlane v4, v3  }
0x84: {  	v7 =	vsel vm11, v7, v8;
	v5 =	vadd.f32 v5, v11  }
0x85: {  	v6 =	vsel vm12, v7, v6;
	v4 =	vadd.f32 v4, v9  }
0x86: {  	v5 =	vsel vm13, v6, v5  }
0x87: {  	v4 =	vsel vm14, v5, v4  }
0x88: {  	s18 =	simm.s32 $0x200;
	[tilespmem:s15+$0x0] =	vst v4  }
0x89: {  	v4 =	vld [tilespmem:s18+$0x5E0]  }
0x8a: {  	v5 =	vld [tilespmem:s18+$0x45E0]  }
0x8b: {  	v6 =	vld [tilespmem:s18+$0x5F0]  }
0x8c: {  	v7 =	vld [tilespmem:s18+$0x45F0]  }
0x8d: {  	v8 =	vld [tilespmem:s18+$0x5C0]  }
0x8e: {  	v9 =	vld [tilespmem:s18+$0x45C0]  }
0x8f: {  	v10 =	vld [tilespmem:s18+$0x5D0]  }
0x90: {  	v11 =	vld [tilespmem:s18+$0x45D0]  }
0x91: {  	v12 =	vld [tilespmem:s18+$0x5A0]  }
0x92: {  	v13 =	vld [tilespmem:s18+$0x45A0]  }
0x93: {  	v14 =	vld [tilespmem:s18+$0x5B0]  }
0x94: {  	v15 =	vld [tilespmem:s18+$0x45B0]  }
0x95: {  	v16 =	vld [tilespmem:s18+$0x580]  }
0x96: {  	v17 =	vld [tilespmem:s18+$0x4580]  }
0x97: {  	v18 =	vld [tilespmem:s18+$0x590]  }
0x98: {  	v19 =	vld [tilespmem:s18+$0x4590]  }
0x99: {  	v20 =	vld [tilespmem:s18+$0x560]  }
0x9a: {  	v21 =	vld [tilespmem:s18+$0x4560]  }
0x9b: {  	v22 =	vld [tilespmem:s18+$0x570]  }
0x9c: {  	v23 =	vld [tilespmem:s18+$0x4570]  }
0x9d: {  	v24 =	vld [tilespmem:s18+$0x540]  }
0x9e: {  	v25 =	vld [tilespmem:s18+$0x4540]  }
0x9f: {  	v26 =	vld [tilespmem:s18+$0x550]  }
0xa0: {  	v27 =	vld [tilespmem:s18+$0x4550]  }
0xa1: {  	v28 =	vld [tilespmem:s18+$0x520]  }
0xa2: {  	v29 =	vld [tilespmem:s18+$0x4520]  }
0xa3: {  	v30 =	vld [tilespmem:s18+$0x530]  }
0xa4: {  	v31 =	vld [tilespmem:s18+$0x4530]  }
0xa5: {  	v45 =	vld [tilespmem:s18+$0x500]  }
0xa6: {  	v46 =	vld [tilespmem:s18+$0x4500]  }
0xa7: {  	v47 =	vld [tilespmem:s18+$0x510]  }
0xa8: {  	v48 =	vld [tilespmem:s18+$0x4510];
	v4 =	vmul.f32 v5, v4  }
0xa9: {  	v49 =	vld [tilespmem:s18+$0x4E0];
	v5 =	vmul.f32 v7, v6;
	v6 =	vmul.f32 v9, v8  }
0xaa: {  	v50 =	vld [tilespmem:s18+$0x4F0];
	v7 =	vmul.f32 v11, v10;
	v8 =	vmul.f32 v13, v12  }
0xab: {  	v51 =	vld [tilespmem:s18+$0x44F0];
	v9 =	vmul.f32 v15, v14;
	v10 =	vmul.f32 v17, v16  }
0xac: {  	v52 =	vld [tilespmem:s18+$0x4C0];
	v11 =	vmul.f32 v19, v18;
	v20 =	vmul.f32 v21, v20  }
0xad: {  	v53 =	vld [tilespmem:s18+$0x44C0];
	v21 =	vmul.f32 v23, v22;
	v22 =	vmul.f32 v25, v24  }
0xae: {  	v54 =	vld [tilespmem:s18+$0x4D0];
	v23 =	vmul.f32 v27, v26;
	v24 =	vmul.f32 v29, v28  }
0xaf: {  	v18 =	vld [tilespmem:s18+$0x44E0];
	v25 =	vmul.f32 v31, v30;
	v26 =	vmul.f32 v46, v45;
	v6 =	vadd.f32 v7, v6  }
0xb0: {  	v42 =	vld [tilespmem:s18+$0x44D0];
	v27 =	vmul.f32 v48, v47;
	v4 =	vadd.f32 v5, v4;
	v5 =	vadd.f32 v11, v10  }
0xb1: {  	v12 =	vld [tilespmem:s18+$0x44A0];
	v29 =	vmul.f32 v51, v50;
	v7 =	vadd.f32 v9, v8;
	v28 =	vadd.f32 v21, v20  }
0xb2: {  	v17 =	vld [tilespmem:s18+$0x460];
	v30 =	vadd.f32 v23, v22;
	v22 =	vmul.f32 v53, v52;
	v8 =	vperm.xlane v6, v0  }
0xb3: {  	v24 =	vadd.f32 v25, v24;
	v20 =	vld [tilespmem:s18+$0x4440];
	v9 =	vperm.xlane v4, v0;
	v10 =	vperm.xlane v5, v0  }
0xb4: {  	v26 =	vadd.f32 v27, v26;
	v11 =	vperm.xlane v7, v0;
	v21 =	vmul.f32 v18, v49;
	v18 =	vld [tilespmem:s18+$0x440]  }
0xb5: {  	v27 =	vperm.xlane v28, v0;
	v31 =	vperm.xlane v24, v0;
	v5 =	vadd.f32 v5, v10;
	v10 =	vld [tilespmem:s18+$0x4A0]  }
0xb6: {  	v57 =	vperm.xlane v26, v0;
	v6 =	vadd.f32 v6, v8;
	v7 =	vadd.f32 v7, v11;
	v11 =	vld [tilespmem:s18+$0x4B0]  }
0xb7: {  	v55 =	vperm.xlane v30, v0;
	v4 =	vadd.f32 v4, v9;
	v31 =	vadd.f32 v24, v31;
	v24 =	vld [tilespmem:s18+$0x410]  }
0xb8: {  	v23 =	vmul.f32 v42, v54;
	v27 =	vadd.f32 v28, v27;
	v59 =	vadd.f32 v26, v57;
	v26 =	vld [tilespmem:s18+$0x420]  }
0xb9: {  	v30 =	vadd.f32 v30, v55;
	v25 =	vadd.f32 v29, v21;
	v21 =	vld [tilespmem:s18+$0x450]  }
0xba: {  	v29 =	vadd.f32 v23, v22;
	v22 =	vld [tilespmem:s18+$0x4400];
	v8 =	vperm.xlane v6, v1;
	v13 =	vperm.xlane v5, v1  }
0xbb: {  	v23 =	vld [tilespmem:s18+$0x400];
	v9 =	vperm.xlane v4, v1;
	v15 =	vperm.xlane v7, v1  }
0xbc: {  	v60 =	vperm.xlane v27, v1;
	v61 =	vperm.xlane v30, v1;
	v14 =	vadd.f32 v5, v13;
	v13 =	vld [tilespmem:s18+$0x44B0]  }
0xbd: {  	v63 =	vperm.xlane v59, v1;
	v28 =	vperm.xlane v29, v0;
	v15 =	vadd.f32 v7, v15;
	v7 =	vld [tilespmem:s18+$0x480]  }
0xbe: {  	v56 =	vperm.xlane v25, v0;
	v6 =	vadd.f32 v6, v8;
	v4 =	vadd.f32 v4, v9;
	v8 =	vld [tilespmem:s18+$0x4480]  }
0xbf: {  	v32 =	vadd.f32 v30, v61;
	v30 =	vld [tilespmem:s18+$0x430];
	v34 =	vadd.f32 v29, v28;
	v29 =	vperm.xlane v31, v1  }
0xc0: {  	v58 =	vadd.f32 v25, v56;
	v25 =	vld [tilespmem:s18+$0x4410];
	v5 =	vperm.xlane v6, v2;
	v9 =	vperm.xlane v4, v2  }
0xc1: {  	v33 =	vadd.f32 v27, v60;
	v28 =	vld [tilespmem:s18+$0x4420];
	v16 =	vperm.xlane v14, v2;
	v19 =	vperm.xlane v15, v2  }
0xc2: {  	v62 =	vperm.xlane v58, v1;
	v29 =	vadd.f32 v31, v29;
	v4 =	vadd.f32 v4, v9;
	v9 =	vld [tilespmem:s18+$0x490]  }
0xc3: {  	v36 =	vperm.xlane v34, v1;
	v5 =	vadd.f32 v6, v5;
	v6 =	vadd.f32 v15, v19;
	v19 =	vld [tilespmem:s18+$0x4460]  }
0xc4: {  	s19 =	simm.s32 $0x1000;
	s17 =	simm.s32 $0x8400;
	v35 =	vperm.xlane v33, v2;
	v31 =	vadd.f32 v59, v63;
	v15 =	vld [tilespmem:s18+$0x470];
	v27 =	vadd.f32 v58, v62  }
.LBB2_2:
0xc5: {  	p0 =	sne.s32 s19, $0xF800;
	v37 =	vld [tilespmem:s18+$0x4430];
	v34 =	vadd.f32 v34, v36;
	v36 =	vperm.xlane v29, v2;
	v38 =	vperm.xlane v32, v2  }
0xc6: {  	v14 =	vadd.f32 v14, v16;
	v39 =	vld [tilespmem:s18+$0x4450];
	v40 =	vperm.xlane v27, v2;
	v41 =	vperm.xlane v31, v2  }
0xc7: {  	v10 =	vmul.f32 v12, v10;
	v33 =	vadd.f32 v33, v35;
	v16 =	vld [tilespmem:s18+$0x4470];
	v12 =	vperm.xlane v34, v2  }
0xc8: {  	v17 =	vmul.f32 v19, v17;
	v11 =	vmul.f32 v13, v11;
	v13 =	vadd.f32 v32, v38;
	v19 =	vld [tilespmem:s18+$0x4490]  }
0xc9: {  	v22 =	vmul.f32 v22, v23;
	v23 =	vmul.f32 v25, v24;
	v24 =	vadd.f32 v29, v36  }
0xca: {  	v25 =	vmul.f32 v28, v26;
	v28 =	vadd.f32 v31, v41;
	v26 =	vmul.f32 v37, v30  }
0xcb: {  	v18 =	vmul.f32 v20, v18;
	v20 =	vmul.f32 v39, v21;
	v21 =	vadd.f32 v27, v40  }
0xcc: {  	v22 =	vadd.f32 v23, v22;
	v23 =	vadd.f32 v26, v25;
	v15 =	vmul.f32 v16, v15  }
0xcd: {  	v7 =	vmul.f32 v8, v7;
	v16 =	vadd.f32 v20, v18;
	v8 =	vmul.f32 v19, v9  }
0xce: {  	v9 =	vperm.xlane v22, v0;
	v18 =	vperm.xlane v23, v0;
	v15 =	vadd.f32 v15, v17  }
0xcf: {  	v17 =	vperm.xlane v16, v0;
	v7 =	vadd.f32 v8, v7;
	v8 =	vadd.f32 v11, v10  }
0xd0: {  	v9 =	vadd.f32 v22, v9;
	v10 =	vadd.f32 v23, v18;
	v11 =	vperm.xlane v15, v0  }
0xd1: {  	v16 =	vadd.f32 v16, v17;
	v17 =	vperm.xlane v7, v0;
	v18 =	vperm.xlane v8, v0  }
0xd2: {  	v19 =	vperm.xlane v9, v1;
	v20 =	vperm.xlane v10, v1;
	v11 =	vadd.f32 v15, v11  }
0xd3: {  	v15 =	vperm.xlane v16, v1;
	v7 =	vadd.f32 v7, v17;
	v8 =	vadd.f32 v8, v18  }
0xd4: {  	v9 =	vadd.f32 v9, v19;
	v10 =	vadd.f32 v10, v20;
	v17 =	vperm.xlane v11, v1  }
0xd5: {  	v15 =	vadd.f32 v16, v15;
	v16 =	vperm.xlane v7, v1;
	v18 =	vperm.xlane v8, v1  }
0xd6: {  	v19 =	vperm.xlane v9, v2;
	v20 =	vperm.xlane v10, v2;
	v11 =	vadd.f32 v11, v17  }
0xd7: {  	v17 =	vperm.xlane v15, v2;
	v7 =	vadd.f32 v7, v16;
	v8 =	vadd.f32 v8, v18  }
0xd8: {  	v9 =	vadd.f32 v9, v19;
	v10 =	vadd.f32 v10, v20;
	v16 =	vperm.xlane v11, v2  }
0xd9: {  	v15 =	vadd.f32 v15, v17;
	v17 =	vperm.xlane v7, v2;
	v18 =	vperm.xlane v8, v2  }
0xda: {  	v19 =	vperm.xlane v9, v3;
	v20 =	vperm.xlane v10, v3;
	v11 =	vadd.f32 v11, v16  }
0xdb: {  	v16 =	vperm.xlane v15, v3;
	v7 =	vadd.f32 v7, v17;
	v8 =	vadd.f32 v8, v18  }
0xdc: {  	v9 =	vadd.f32 v9, v19;
	v10 =	vadd.f32 v10, v20;
	v17 =	vperm.xlane v11, v3  }
0xdd: {  	v12 =	vadd.f32 v34, v12;
	v15 =	vadd.f32 v15, v16;
	v16 =	vperm.xlane v7, v3  }
0xde: {  	v9 =	vsel vm0, v9, v10;
	v10 =	vadd.f32 v11, v17;
	v11 =	vperm.xlane v8, v3  }
0xdf: {  	v9 =	vsel vm1, v9, v15;
	v7 =	vadd.f32 v7, v16;
	v15 =	vperm.xlane v12, v3  }
0xe0: {  	v9 =	vsel vm2, v9, v10;
	v8 =	vadd.f32 v8, v11;
	v10 =	vperm.xlane v21, v3  }
0xe1: {  	v11 =	vperm.xlane v28, v3;
	v7 =	vsel vm3, v9, v7;
	v9 =	vadd.f32 v12, v15  }
0xe2: {  	v7 =	vsel vm4, v7, v8;
	v8 =	vadd.f32 v21, v10;
	v10 =	vperm.xlane v24, v3  }
0xe3: {  	v7 =	vsel vm5, v7, v9;
	v9 =	vadd.f32 v28, v11;
	v11 =	vperm.xlane v13, v3  }
0xe4: {  	v7 =	vsel vm6, v7, v8;
	v8 =	vadd.f32 v24, v10;
	v10 =	vperm.xlane v33, v3  }
0xe5: {  	v7 =	vsel vm7, v7, v9;
	v9 =	vadd.f32 v13, v11;
	v11 =	vperm.xlane v14, v3  }
0xe6: {  	v7 =	vsel vm8, v7, v8;
	v8 =	vadd.f32 v33, v10;
	v10 =	vperm.xlane v6, v3  }
0xe7: {  	v7 =	vsel vm9, v7, v9;
	v9 =	vadd.f32 v14, v11;
	v11 =	vperm.xlane v5, v3  }
0xe8: {  	v7 =	vsel vm10, v7, v8;
	v6 =	vadd.f32 v6, v10;
	v8 =	vperm.xlane v4, v3  }
0xe9: {  	v7 =	vsel vm11, v7, v9;
	v5 =	vadd.f32 v5, v11  }
0xea: {  	v6 =	vsel vm12, v7, v6;
	v4 =	vadd.f32 v4, v8  }
0xeb: {  	v5 =	vsel vm13, v6, v5  }
0xec: {  	s17 =	sadd.s32 $0x10, s17;
	v4 =	vsel vm14, v5, v4  }
0xed: {  	s18 =	sshra.s32 s19, $0x2;
	[tilespmem:s17+$0x0] =	vst v4  }
0xee: {  	v4 =	vld [tilespmem:s18+$0x5E0]  }
0xef: {  	v5 =	vld [tilespmem:s18+$0x45E0]  }
0xf0: {  	v6 =	vld [tilespmem:s18+$0x5F0]  }
0xf1: {  	v7 =	vld [tilespmem:s18+$0x45F0]  }
0xf2: {  	v8 =	vld [tilespmem:s18+$0x5C0]  }
0xf3: {  	v9 =	vld [tilespmem:s18+$0x45C0]  }
0xf4: {  	v10 =	vld [tilespmem:s18+$0x5D0]  }
0xf5: {  	v11 =	vld [tilespmem:s18+$0x45D0]  }
0xf6: {  	v12 =	vld [tilespmem:s18+$0x5A0]  }
0xf7: {  	v13 =	vld [tilespmem:s18+$0x45A0]  }
0xf8: {  	v14 =	vld [tilespmem:s18+$0x5B0]  }
0xf9: {  	v15 =	vld [tilespmem:s18+$0x45B0]  }
0xfa: {  	v16 =	vld [tilespmem:s18+$0x580]  }
0xfb: {  	v17 =	vld [tilespmem:s18+$0x4580]  }
0xfc: {  	v18 =	vld [tilespmem:s18+$0x590]  }
0xfd: {  	v19 =	vld [tilespmem:s18+$0x4590]  }
0xfe: {  	v20 =	vld [tilespmem:s18+$0x560]  }
0xff: {  	v21 =	vld [tilespmem:s18+$0x4560]  }
0x100: {  	v22 =	vld [tilespmem:s18+$0x570]  }
0x101: {  	v23 =	vld [tilespmem:s18+$0x4570]  }
0x102: {  	v24 =	vld [tilespmem:s18+$0x540]  }
0x103: {  	v25 =	vld [tilespmem:s18+$0x4540]  }
0x104: {  	v26 =	vld [tilespmem:s18+$0x550]  }
0x105: {  	v27 =	vld [tilespmem:s18+$0x4550]  }
0x106: {  	v28 =	vld [tilespmem:s18+$0x520]  }
0x107: {  	v29 =	vld [tilespmem:s18+$0x4520]  }
0x108: {  	v30 =	vld [tilespmem:s18+$0x530]  }
0x109: {  	v31 =	vld [tilespmem:s18+$0x4530]  }
0x10a: {  	v32 =	vld [tilespmem:s18+$0x500]  }
0x10b: {  	v4 =	vmul.f32 v5, v4;
	v5 =	vmul.f32 v7, v6;
	v33 =	vld [tilespmem:s18+$0x4500]  }
0x10c: {  	v6 =	vmul.f32 v9, v8;
	v7 =	vmul.f32 v11, v10;
	v34 =	vld [tilespmem:s18+$0x510]  }
0x10d: {  	v8 =	vmul.f32 v13, v12;
	v9 =	vmul.f32 v15, v14;
	v35 =	vld [tilespmem:s18+$0x4510]  }
0x10e: {  	v10 =	vmul.f32 v17, v16;
	v11 =	vmul.f32 v19, v18;
	v36 =	vld [tilespmem:s18+$0x4E0]  }
0x10f: {  	v4 =	vadd.f32 v5, v4;
	v6 =	vadd.f32 v7, v6;
	v18 =	vld [tilespmem:s18+$0x44E0]  }
0x110: {  	v7 =	vadd.f32 v9, v8;
	v5 =	vadd.f32 v11, v10;
	v37 =	vld [tilespmem:s18+$0x4F0]  }
0x111: {  	v8 =	vperm.xlane v6, v0;
	v9 =	vperm.xlane v4, v0;
	v38 =	vld [tilespmem:s18+$0x44F0]  }
0x112: {  	v11 =	vperm.xlane v7, v0;
	v10 =	vperm.xlane v5, v0;
	v39 =	vld [tilespmem:s18+$0x4C0]  }
0x113: {  	v6 =	vadd.f32 v6, v8;
	v4 =	vadd.f32 v4, v9;
	v40 =	vld [tilespmem:s18+$0x44C0]  }
0x114: {  	v7 =	vadd.f32 v7, v11;
	v5 =	vadd.f32 v5, v10;
	v41 =	vld [tilespmem:s18+$0x4D0]  }
0x115: {  	v8 =	vperm.xlane v6, v1;
	v9 =	vperm.xlane v4, v1;
	v42 =	vld [tilespmem:s18+$0x44D0]  }
0x116: {  	v15 =	vperm.xlane v7, v1;
	v13 =	vperm.xlane v5, v1;
	v10 =	vld [tilespmem:s18+$0x4A0]  }
0x117: {  	v6 =	vadd.f32 v6, v8;
	v4 =	vadd.f32 v4, v9;
	v12 =	vld [tilespmem:s18+$0x44A0]  }
0x118: {  	v15 =	vadd.f32 v7, v15;
	v14 =	vadd.f32 v5, v13;
	v11 =	vld [tilespmem:s18+$0x4B0]  }
0x119: {  	v9 =	vperm.xlane v4, v2;
	v5 =	vperm.xlane v6, v2;
	v13 =	vld [tilespmem:s18+$0x44B0]  }
0x11a: {  	v19 =	vperm.xlane v15, v2;
	v16 =	vperm.xlane v14, v2;
	v7 =	vld [tilespmem:s18+$0x480]  }
0x11b: {  	v20 =	vmul.f32 v21, v20;
	v21 =	vmul.f32 v23, v22;
	v4 =	vadd.f32 v4, v9;
	v8 =	vld [tilespmem:s18+$0x4480]  }
0x11c: {  	v22 =	vmul.f32 v25, v24;
	v23 =	vmul.f32 v27, v26;
	v5 =	vadd.f32 v6, v5;
	v9 =	vld [tilespmem:s18+$0x490]  }
0x11d: {  	v24 =	vmul.f32 v29, v28;
	v25 =	vmul.f32 v31, v30;
	v6 =	vadd.f32 v15, v19;
	v17 =	vld [tilespmem:s18+$0x460]  }
0x11e: {  	v28 =	vadd.f32 v21, v20;
	v26 =	vmul.f32 v33, v32;
	v27 =	vmul.f32 v35, v34;
	v19 =	vld [tilespmem:s18+$0x4460]  }
0x11f: {  	v30 =	vadd.f32 v23, v22;
	v21 =	vmul.f32 v18, v36;
	v29 =	vmul.f32 v38, v37;
	v15 =	vld [tilespmem:s18+$0x470]  }
0x120: {  	v24 =	vadd.f32 v25, v24;
	v22 =	vmul.f32 v40, v39;
	v23 =	vmul.f32 v42, v41;
	v18 =	vld [tilespmem:s18+$0x440]  }
0x121: {  	v26 =	vadd.f32 v27, v26;
	v27 =	vperm.xlane v28, v0;
	v25 =	vadd.f32 v29, v21;
	v20 =	vld [tilespmem:s18+$0x4440]  }
0x122: {  	v32 =	vperm.xlane v30, v0;
	v31 =	vperm.xlane v24, v0;
	v29 =	vadd.f32 v23, v22;
	v21 =	vld [tilespmem:s18+$0x450]  }
0x123: {  	v34 =	vperm.xlane v26, v0;
	v27 =	vadd.f32 v28, v27;
	v33 =	vperm.xlane v25, v0;
	v22 =	vld [tilespmem:s18+$0x4400]  }
0x124: {  	v30 =	vadd.f32 v30, v32;
	v31 =	vadd.f32 v24, v31;
	v28 =	vperm.xlane v29, v0;
	v23 =	vld [tilespmem:s18+$0x400]  }
.Ltmp0:
0x125: {  	v37 =	vadd.f32 v26, v34;
	v32 =	vperm.xlane v27, v1;
	v35 =	vadd.f32 v25, v33;
	v24 =	vld [tilespmem:s18+$0x410];
	(pc) =	sbr.rel @p0 .LBB2_2-.Ltmp0, $4  }
0x126: {  	v38 =	vperm.xlane v30, v1;
	v34 =	vadd.f32 v29, v28;
	v29 =	vperm.xlane v31, v1;
	v25 =	vld [tilespmem:s18+$0x4410]  }
0x127: {  	v40 =	vperm.xlane v37, v1;
	v33 =	vadd.f32 v27, v32;
	v39 =	vperm.xlane v35, v1;
	v26 =	vld [tilespmem:s18+$0x420]  }
0x128: {  	v32 =	vadd.f32 v30, v38;
	v36 =	vperm.xlane v34, v1;
	v29 =	vadd.f32 v31, v29;
	v28 =	vld [tilespmem:s18+$0x4420]  }
0x129: {  	s19 =	sadd.s32 $0x800, s19;
	v27 =	vadd.f32 v35, v39;
	v35 =	vperm.xlane v33, v2;
	v31 =	vadd.f32 v37, v40;
	v30 =	vld [tilespmem:s18+$0x430]  }
0x12a: {  	v49 =	vperm.xlane v29, v2;
	v38 =	vperm.xlane v32, v2  }
0x12b: {  	v37 =	vld [tilespmem:s18+$0x4430];
	v10 =	vmul.f32 v12, v10;
	v17 =	vmul.f32 v19, v17  }
0x12c: {  	v39 =	vld [tilespmem:s18+$0x4450];
	v11 =	vmul.f32 v13, v11;
	v22 =	vmul.f32 v22, v23  }
0x12d: {  	v34 =	vadd.f32 v34, v36;
	v50 =	vld [tilespmem:s18+$0x4470];
	v18 =	vmul.f32 v20, v18;
	v7 =	vmul.f32 v8, v7  }
0x12e: {  	v14 =	vadd.f32 v14, v16;
	v52 =	vld [tilespmem:s18+$0x4490];
	v40 =	vperm.xlane v27, v2;
	v41 =	vperm.xlane v31, v2  }
0x12f: {  	v33 =	vadd.f32 v33, v35;
	v53 =	vmul.f32 v25, v24;
	v51 =	vperm.xlane v34, v2  }
0x130: {  	v13 =	vadd.f32 v32, v38;
	v54 =	vmul.f32 v28, v26;
	v55 =	vmul.f32 v37, v30  }
0x131: {  	v24 =	vadd.f32 v29, v49;
	v56 =	vadd.f32 v31, v41;
	v57 =	vmul.f32 v39, v21  }
0x132: {  	v22 =	vadd.f32 v53, v22;
	v15 =	vmul.f32 v50, v15;
	v59 =	vadd.f32 v55, v54  }
0x133: {  	v58 =	vadd.f32 v27, v40;
	v61 =	vmul.f32 v52, v9;
	v60 =	vadd.f32 v57, v18  }
0x134: {  	v62 =	vperm.xlane v22, v0;
	v15 =	vadd.f32 v15, v17;
	v63 =	vperm.xlane v59, v0  }
0x135: {  	v26 =	vadd.f32 v11, v10;
	v7 =	vadd.f32 v61, v7;
	v25 =	vperm.xlane v60, v0  }
0x136: {  	v9 =	vadd.f32 v22, v62;
	v29 =	vperm.xlane v15, v0;
	v27 =	vadd.f32 v59, v63  }
0x137: {  	v31 =	vperm.xlane v26, v0;
	v30 =	vperm.xlane v7, v0;
	v16 =	vadd.f32 v60, v25  }
0x138: {  	v32 =	vperm.xlane v9, v1;
	v11 =	vadd.f32 v15, v29;
	v35 =	vperm.xlane v27, v1  }
0x139: {  	v8 =	vadd.f32 v26, v31;
	v7 =	vadd.f32 v7, v30;
	v36 =	vperm.xlane v16, v1  }
0x13a: {  	v9 =	vadd.f32 v9, v32;
	v37 =	vperm.xlane v11, v1;
	v10 =	vadd.f32 v27, v35  }
0x13b: {  	v18 =	vperm.xlane v8, v1;
	v38 =	vperm.xlane v7, v1;
	v15 =	vadd.f32 v16, v36  }
0x13c: {  	v19 =	vperm.xlane v9, v2;
	v11 =	vadd.f32 v11, v37;
	v20 =	vperm.xlane v10, v2  }
0x13d: {  	v8 =	vadd.f32 v8, v18;
	v7 =	vadd.f32 v7, v38;
	v39 =	vperm.xlane v15, v2  }
0x13e: {  	v9 =	vadd.f32 v9, v19;
	v40 =	vperm.xlane v11, v2;
	v10 =	vadd.f32 v10, v20  }
0x13f: {  	v18 =	vperm.xlane v8, v2;
	v41 =	vperm.xlane v7, v2;
	v15 =	vadd.f32 v15, v39  }
0x140: {  	v19 =	vperm.xlane v9, v3;
	v11 =	vadd.f32 v11, v40;
	v20 =	vperm.xlane v10, v3  }
0x141: {  	v8 =	vadd.f32 v8, v18;
	v7 =	vadd.f32 v7, v41;
	v42 =	vperm.xlane v15, v3  }
0x142: {  	v9 =	vadd.f32 v9, v19;
	v43 =	vperm.xlane v11, v3;
	v10 =	vadd.f32 v10, v20  }
0x143: {  	v12 =	vadd.f32 v34, v51;
	v44 =	vperm.xlane v7, v3;
	v15 =	vadd.f32 v15, v42  }
0x144: {  	v46 =	vperm.xlane v8, v3;
	v45 =	vadd.f32 v11, v43;
	v9 =	vsel vm0, v9, v10  }
0x145: {  	v47 =	vperm.xlane v12, v3;
	v7 =	vadd.f32 v7, v44;
	v9 =	vsel vm1, v9, v15  }
0x146: {  	v48 =	vperm.xlane v58, v3;
	v8 =	vadd.f32 v8, v46;
	v9 =	vsel vm2, v9, v45  }
0x147: {  	v50 =	vperm.xlane v56, v3;
	v49 =	vadd.f32 v12, v47;
	v7 =	vsel vm3, v9, v7  }
0x148: {  	v52 =	vperm.xlane v24, v3;
	v51 =	vadd.f32 v58, v48;
	v7 =	vsel vm4, v7, v8  }
0x149: {  	v53 =	vadd.f32 v56, v50;
	v54 =	vperm.xlane v13, v3;
	v7 =	vsel vm5, v7, v49  }
0x14a: {  	v55 =	vadd.f32 v24, v52;
	v56 =	vperm.xlane v33, v3;
	v7 =	vsel vm6, v7, v51  }
0x14b: {  	v58 =	vperm.xlane v14, v3;
	v57 =	vadd.f32 v13, v54;
	v7 =	vsel vm7, v7, v53  }
0x14c: {  	v59 =	vadd.f32 v33, v56;
	v60 =	vperm.xlane v6, v3;
	v7 =	vsel vm8, v7, v55  }
0x14d: {  	v62 =	vperm.xlane v5, v3;
	v61 =	vadd.f32 v14, v58;
	v7 =	vsel vm9, v7, v57  }
0x14e: {  	v63 =	vperm.xlane v4, v3;
	v6 =	vadd.f32 v6, v60;
	v7 =	vsel vm10, v7, v59  }
0x14f: {  	v5 =	vadd.f32 v5, v62;
	v7 =	vsel vm11, v7, v61  }
0x150: {  	v4 =	vadd.f32 v4, v63;
	v6 =	vsel vm12, v7, v6  }
0x151: {  	s16 =	sadd.s32 $0x1, s16;
	v5 =	vsel vm13, v6, v5  }
0x152: {  	s17 =	sadd.s32 $0x10, s17;
	p0 =	sne.s32 s16, s8;
	v4 =	vsel vm14, v5, v4  }
.Ltmp1:
0x153: {  	[tilespmem:s17+$0x0] =	vst v4;
	(pc) =	sbr.rel @p0 .LBB2_1-.Ltmp1, $4  }
0x154: {  	[hbm4b:s7+s1] =	stream.linear.scatter [tilespmem:s15], [sflag:$0x3], $0x200, $0x38;
	[tilespmem:$0x8600] =	vst v63  }
0x155: {  	_ =	swait.ge [sflag:s9], $0x200  }
0x156: {  	[sflag:s9] =	ssyncset.done $0x0  }
0x157: {  	[sflag:s9] =	ssyncadd.s32 $0xFFFFFE00  }
0x158: {  	_ =	sfence.sel $0x180000  }
0x159: {  	[bflag:$0x0] =	sbarrier.arrive $0xFFFF  }
0x15a: {  	p0 =	sne.s32 s2, $0x0;
	_ =	strace $0x90000047  }
0x15b: {  	s0 =	sadd.s32 @!p0 $0x100000, s0;
	[bflag:$0x2] =	sbarrier.arrive $0xFFFF  }
0x15c: {  	[sflag:s0] =	ssyncadd.tile.s32 @!p0 $0x1;
	_ =	shalt  }
.Lfunc_end2:
_tile_overlayer_lowered:
.L_overlay_start_2:
0x15d: {  	(tag) =	ssettag $0x2  }
0x15e: {  	s0 =	rddreg [dreg:$0x0];
	s2 =	stileid.u32  }
0x15f: {  	s1 =	rddreg [dreg:$0x1];
	p0 =	sne.s32 s2, $0x0  }
0x160: {  	s3 =	rddreg [dreg:$0x2];
	[bflag:$0x3] =	sbarrier.arrive $0xFFFF;
	s2 =	simm.s32 @!p0 $0x1C03  }
0x161: {  	[timem:s3], [sflag:s2] =	dma.local @!p0 [hbm:s0], s1  }
0x162: {  	s0 =	simm.s32 @!p0 $0x3  }
0x163: {  	_ =	swait.ge @!p0 [sflag:s0], s1  }
0x164: {  	s1 =	ssub.s32 @!p0 $0x0, s1;
	[sflag:s0] =	ssyncset.done @!p0 $0x0  }
0x165: {  	[sflag:s0] =	ssyncadd.s32 @!p0 s1  }
0x166: {  	[bflag:$0x3] =	sbarrier.arrive $0xFFFF  }
0x167: {  	_ =	shalt  }

</sc_bundles>
